<compile_context>
chip_gen: v7x
topology: tpu7x:2x2x1
jax: 0.10.2.dev20260603
libtpu: 0.0.44.dev20260713+nightly
codegen_flags: <defaults>
</compile_context>

<pallas_src>
import functools

import jax
import jax.numpy as jnp
from jax import lax
from jax.experimental import pallas as pl
from jax.experimental.pallas import tpu as pltpu
from jax.experimental.pallas import tpu_sc as plsc

_TS = 128
_D = 768
_N = 2048
_TM = 256
_NT = _N // _TM
_K = 8
_NQ = _TS // _K
_NSEG = 24
_NB = 16
_CB = _N // _NB
_SENT = 1000


def _route_kernel(tid_ref, hs_ref, wrow_ref, brow_ref,
                  inv_ref, rows_ref, cols_ref, lrow_ref, meta_ref):
    tid = tid_ref[:]
    rows = tid // _TS
    cols = tid % _TS
    hs_b = hs_ref[:].astype(jnp.bfloat16)

    rlog = jax.lax.dot_general(
        hs_b, wrow_ref[:].astype(jnp.bfloat16),
        (((1,), (1,)), ((), ())), preferred_element_type=jnp.float32
    ) + brow_ref[:]
    lane_ts = jax.lax.broadcasted_iota(jnp.int32, (_N, _TS), 1)
    oh_f = (rows == lane_ts).astype(jnp.float32)
    mx = jnp.max(rlog, axis=1, keepdims=True)
    lse = mx[:, 0] + jnp.log(jnp.sum(jnp.exp(rlog - mx), axis=1))
    tgt = jnp.sum(oh_f * rlog, axis=1)
    lrow_ref[:] = jnp.reshape(jnp.sum(lse - tgt) * (1.0 / _N), (1, 1))

    offs = jnp.sum((rows < lane_ts).astype(jnp.float32), axis=0,
                   keepdims=True)
    gpos_col = jax.lax.broadcasted_iota(jnp.int32, (_N, 1), 0)
    gpos_f = gpos_col.astype(jnp.float32)
    rs = jnp.sum(((gpos_f - offs) >= 0.0).astype(jnp.float32),
                 axis=1, keepdims=True) - 1.0
    rs_prev = jnp.sum(((gpos_f - 1.0 - offs) >= 0.0).astype(jnp.float32),
                      axis=1, keepdims=True) - 1.0
    qs = jnp.floor(rs * (1.0 / _K))
    qs_prev = jnp.floor(rs_prev * (1.0 / _K))
    isnew_f = jnp.maximum((gpos_col % _TM == 0).astype(jnp.float32),
                          (qs != qs_prev).astype(jnp.float32))

    lane_u = jax.lax.broadcasted_iota(jnp.int32, (_N, _TS + 8), 1)
    oh_ext_f = (rows == lane_u).astype(jnp.float32)
    u = (oh_ext_f
         + (lane_u == _TS).astype(jnp.float32) * isnew_f).astype(jnp.bfloat16)
    io_i = jax.lax.broadcasted_iota(jnp.int32, (_CB, _CB), 0)
    io_j = jax.lax.broadcasted_iota(jnp.int32, (_CB, _CB), 1)
    Lt = (io_i >= io_j).astype(jnp.bfloat16)
    blocks = []
    carry = jnp.zeros((1, _TS + 8), jnp.float32)
    for b in range(_NB):
        ub = u[b * _CB:(b + 1) * _CB, :]
        cb = jax.lax.dot_general(Lt, ub, (((1,), (0,)), ((), ())),
                                 preferred_element_type=jnp.float32) + carry
        blocks.append(cb)
        carry = cb[_CB - 1:_CB, :]
    CU = jnp.concatenate(blocks, axis=0)

    rank = jnp.sum(oh_f * CU[:, :_TS], axis=1, keepdims=True) - 1.0
    segid = CU[:, _TS:_TS + 1] - 1.0
    offs_own = jnp.sum(oh_f * offs, axis=1, keepdims=True)
    pos = offs_own + rank

    io_pos = jax.lax.broadcasted_iota(jnp.int32, (_N, _N), 1)
    PT = (pos == io_pos.astype(jnp.float32)).astype(jnp.bfloat16)
    lane_m = jax.lax.broadcasted_iota(jnp.int32, (_N, _TS), 1)
    ihi_n = (gpos_col // 16).astype(jnp.float32)
    ilo_n = (gpos_col % 16).astype(jnp.float32)
    Xs = ((lane_m == 0).astype(jnp.float32) * cols.astype(jnp.float32)
          + (lane_m == 1).astype(jnp.float32) * ihi_n
          + (lane_m == 2).astype(jnp.float32) * ilo_n).astype(jnp.bfloat16)
    colss = jax.lax.dot_general(PT, Xs, (((0,), (0,)), ((), ())),
                                preferred_element_type=jnp.float32)
    cols_ref[:] = colss[:, 0:1].astype(jnp.int32)
    inv_ref[:] = (16.0 * colss[:, 1:2] + colss[:, 2:3]).astype(jnp.int32)
    rows_ref[:] = rs.astype(jnp.int32)

    lane_sg = jax.lax.broadcasted_iota(jnp.int32, (_N, _NSEG), 1)
    Qc = (segid == lane_sg.astype(jnp.float32)).astype(jnp.bfloat16)
    Qt = Qc * isnew_f.astype(jnp.bfloat16)
    ihi = (gpos_col // 16).astype(jnp.float32)
    ilo = (gpos_col % 16).astype(jnp.float32)
    l0 = (lane_m == 0).astype(jnp.float32)
    l1 = (lane_m == 1).astype(jnp.float32)
    l2 = (lane_m == 2).astype(jnp.float32)
    l3 = (lane_m == 3).astype(jnp.float32)
    M1 = (l0 * ihi + l1 * ilo + l2 * qs + l3).astype(jnp.bfloat16)
    o1 = jax.lax.dot_general(Qt, M1, (((0,), (0,)), ((), ())),
                             preferred_element_type=jnp.float32)
    o2 = jax.lax.dot_general(Qc, M1, (((0,), (0,)), ((), ())),
                             preferred_element_type=jnp.float32)
    start = 16.0 * o1[:, 0:1] + o1[:, 1:2]
    quad = o1[:, 2:3]
    count = o2[:, 3:4]
    tile = jnp.floor(start * (1.0 / _TM))
    pad_f = (count == 0.0).astype(jnp.float32)
    tile = pad_f * float(_NT - 1) + (1.0 - pad_f) * tile
    qfetch = (1.0 - pad_f) * quad
    qcmp = pad_f * float(_SENT) + (1.0 - pad_f) * quad
    lane_meta = jax.lax.broadcasted_iota(jnp.int32, (_NSEG, _TS), 1)
    s0 = (lane_meta == 0).astype(jnp.float32)
    s1 = (lane_meta == 1).astype(jnp.float32)
    s2 = (lane_meta == 2).astype(jnp.float32)
    meta = s0 * qfetch + s1 * qcmp + s2 * tile
    meta_ref[:] = meta.astype(jnp.int32)


_NW = 32
_BPW = _N // _NW


def _sc_gather(hs, inv):
    mesh = plsc.VectorSubcoreMesh(core_axis_name="c", subcore_axis_name="s")

    @functools.partial(
        pl.kernel, mesh=mesh,
        out_type=jax.ShapeDtypeStruct((_N, _D), jnp.float32),
        scratch_types=[
            pltpu.VMEM((_BPW,), jnp.int32),
            pltpu.VMEM((_BPW, _D), jnp.float32),
            pltpu.SemaphoreType.DMA,
        ],
    )
    def gk(hs_hbm, idx_hbm, out_hbm, idx_v, rows_v, sem):
        wid = lax.axis_index("s") * 2 + lax.axis_index("c")
        base = wid * _BPW
        pltpu.sync_copy(idx_hbm.at[pl.ds(base, _BPW)], idx_v)
        pltpu.async_copy(hs_hbm.at[idx_v], rows_v, sem).wait()
        pltpu.sync_copy(rows_v, out_hbm.at[pl.ds(base, _BPW)])

    return gk(hs, inv)


def _group_kernel(qf_ref, qc_ref, st_ref,
                  hss_ref, cw_ref, cb_ref,
                  rows_ref, colss_ref, out_ref, acc_ref):
    s = pl.program_id(0)
    q = qc_ref[s]
    tile = st_ref[s]
    rows_t = rows_ref[:]
    hs_t = hss_ref[:]
    cb = cb_ref[0]
    val = jnp.zeros((_TM, _TS), jnp.float32)
    hs_b = hs_t.astype(jnp.bfloat16)
    for k in range(_K):
        ck = jnp.dot(hs_b, cw_ref[k].astype(jnp.bfloat16),
                     preferred_element_type=jnp.float32) + cb[k:k + 1, :]
        val += jnp.where(rows_t == q * _K + k, ck, 0.0)

    prev_tile = st_ref[jnp.maximum(s - 1, 0)]
    first = jnp.logical_or(s == 0, tile != prev_tile)
    next_tile = st_ref[jnp.minimum(s + 1, _NSEG - 1)]
    last = jnp.logical_or(s == _NSEG - 1, tile != next_tile)

    @pl.when(first)
    def _init():
        acc_ref[:] = val

    @pl.when(jnp.logical_not(first))
    def _accum():
        acc_ref[:] += val

    @pl.when(s == 0)
    def _zero_out():
        out_ref[:] = jnp.zeros_like(out_ref)

    @pl.when(last)
    def _tile_ce():
        clog = acc_ref[:]
        iot = jax.lax.broadcasted_iota(jnp.int32, (_TM, _TS), 1)
        onehot_f = (colss_ref[:] == iot).astype(jnp.float32)
        mx = jnp.max(clog, axis=1, keepdims=True)
        lse = mx[:, 0] + jnp.log(jnp.sum(jnp.exp(clog - mx), axis=1))
        tgt = jnp.sum(onehot_f * clog, axis=1)
        out_ref[:] += jnp.reshape(jnp.sum(lse - tgt) * (1.0 / _N), (1, 1))


def kernel(hidden_states, target_ids, W_row, b_row, col_weight, col_bias):
    hs = hidden_states.reshape(_N, _D)
    tid = target_ids.reshape(_N, 1)
    brow = b_row.reshape(1, _TS)

    inv, rws, colss, lrow, meta = pl.pallas_call(
        _route_kernel,
        in_specs=[
            pl.BlockSpec((_N, 1), lambda: (0, 0)),
            pl.BlockSpec((_N, _D), lambda: (0, 0)),
            pl.BlockSpec((_TS, _D), lambda: (0, 0)),
            pl.BlockSpec((1, _TS), lambda: (0, 0)),
        ],
        out_specs=[
            pl.BlockSpec((_N, 1), lambda: (0, 0)),
            pl.BlockSpec((_N, 1), lambda: (0, 0)),
            pl.BlockSpec((_N, 1), lambda: (0, 0)),
            pl.BlockSpec((1, 1), lambda: (0, 0)),
            pl.BlockSpec((_NSEG, _TS), lambda: (0, 0)),
        ],
        out_shape=[
            jax.ShapeDtypeStruct((_N, 1), jnp.int32),
            jax.ShapeDtypeStruct((_N, 1), jnp.int32),
            jax.ShapeDtypeStruct((_N, 1), jnp.int32),
            jax.ShapeDtypeStruct((1, 1), jnp.float32),
            jax.ShapeDtypeStruct((_NSEG, _TS), jnp.int32),
        ],
    )(tid, hs, W_row, brow)

    hss = _sc_gather(hs, inv.reshape(_N))

    qf = meta[:, 0]
    qc = meta[:, 1]
    st = meta[:, 2]

    lcol = pl.pallas_call(
        _group_kernel,
        grid_spec=pltpu.PrefetchScalarGridSpec(
            num_scalar_prefetch=3,
            grid=(_NSEG,),
            in_specs=[
                pl.BlockSpec((_TM, _D), lambda s, qf, qc, st: (st[s], 0)),
                pl.BlockSpec((_K, _D, _TS),
                             lambda s, qf, qc, st: (qf[s], 0, 0)),
                pl.BlockSpec((1, _K, _TS),
                             lambda s, qf, qc, st: (qf[s], 0, 0)),
                pl.BlockSpec((_TM, 1), lambda s, qf, qc, st: (st[s], 0)),
                pl.BlockSpec((_TM, 1), lambda s, qf, qc, st: (st[s], 0)),
            ],
            out_specs=pl.BlockSpec((1, 1), lambda s, qf, qc, st: (0, 0)),
            scratch_shapes=[pltpu.VMEM((_TM, _TS), jnp.float32)],
        ),
        out_shape=jax.ShapeDtypeStruct((1, 1), jnp.float32),
    )(qf, qc, st, hss, col_weight,
      col_bias.reshape(_NQ, _K, _TS), rws, colss)

    return (lrow + lcol)[0, 0]

# --- scband reference (transcript-rebuilt; emitter-appended) ---
"""Pipeline reference for scband-light-rnndecoder-33054068310800 (READ-ONLY COPY).

The authoritative reference and input builder live on the scoring server;
editing this copy changes nothing except your own understanding.
"""

import jax, jax.numpy as jnp
import numpy as np

TABLE_SIZE = 128
N_EMBD = 768
B, T = 1, 2048


def setup_inputs(seed: int = 0) -> dict:
    key = jax.random.key(seed)
    k1, k2, k3, k4 = jax.random.split(key, 4)
    hidden_states = jax.random.normal(k1, (B, T, N_EMBD), dtype=jnp.float32)
    target_ids = jax.random.randint(k2, (B, T), 0, TABLE_SIZE * TABLE_SIZE, dtype=jnp.int32)
    W_row = 0.02 * jax.random.normal(k3, (TABLE_SIZE, N_EMBD), dtype=jnp.float32)
    b_row = jnp.zeros((TABLE_SIZE,), dtype=jnp.float32)
    col_weight = 0.02 * jax.random.normal(k4, (TABLE_SIZE, N_EMBD, TABLE_SIZE), dtype=jnp.float32)
    col_bias = jnp.zeros((TABLE_SIZE, TABLE_SIZE), dtype=jnp.float32)
    return {
        "hidden_states": hidden_states,
        "target_ids": target_ids,
        "W_row": W_row,
        "b_row": b_row,
        "col_weight": col_weight,
        "col_bias": col_bias,
    }


def _cross_entropy(logits, targets):
    logp = jax.nn.log_softmax(logits, axis=-1)
    nll = -jnp.take_along_axis(logp, targets[:, None], axis=1)[:, 0]
    return jnp.mean(nll)


def reference(hidden_states, target_ids, W_row, b_row, col_weight, col_bias):
    # row logits: (B, T, table_size)
    row_logits = jnp.einsum('btd,rd->btr', hidden_states, W_row) + b_row
    # codebook lookup: row = id // table_size, col = id % table_size
    tgt_row = target_ids // TABLE_SIZE
    tgt_col = target_ids % TABLE_SIZE
    row_ids_flat = tgt_row.reshape(-1)
    col_ids_flat = tgt_col.reshape(-1)
    hs_flat = hidden_states.reshape(-1, N_EMBD)
    # gather per-token column projection (the MoE-style routed matmul)
    W_tok = jnp.take(col_weight, row_ids_flat, axis=0)  # (N, n_embd, table_size)
    b_tok = jnp.take(col_bias, row_ids_flat, axis=0)    # (N, table_size)
    logits = jnp.einsum('nd,ndt->nt', hs_flat, W_tok) + b_tok
    loss_row = _cross_entropy(row_logits.reshape(-1, TABLE_SIZE), row_ids_flat)
    loss_col = _cross_entropy(logits, col_ids_flat)
    loss = loss_row + loss_col
    return loss

if __name__ == "__main__":
    import jax
    _d = setup_inputs()
    print(jax.jit(kernel)(*tuple(_d.values())))

</pallas_src>

<mosaic_0001>
#map = affine_map<(d0, d1) -> (0, 0)>
#map1 = affine_map<(d0, d1) -> (0)>
module attributes {stable_mosaic.version = 14 : i64} {
  func.func @gk(%arg0: i32, %arg1: i32, %arg2: memref<2048x768xf32, #tpu.memory_space<hbm>>, %arg3: memref<2048xi32, #tpu.memory_space<hbm>>, %arg4: memref<2048x768xf32, #tpu.memory_space<hbm>>, %arg5: memref<64xi32, #tpu.memory_space<vmem>>, %arg6: memref<64x768xf32, #tpu.memory_space<vmem>>, %arg7: memref<!tpu.dma_semaphore, #tpu.memory_space<semaphore_mem>>) attributes {dimension_semantics = [#tpu.dimension_semantics<core_parallel>, #tpu.dimension_semantics<subcore_parallel>], iteration_bounds = array<i64: 2, 16>, scalar_prefetch = 0 : i64, scratch_operands = 3 : i64, tpu.core_type = #tpu.core_type<sc_vector_subcore>, window_params = [{transform_indices = #map}, {transform_indices = #map1}, {transform_indices = #map}]} {
    %mul3A = arith.constant 2 : i32
    %mul3A_0 = arith.muli %arg1, %mul3A : i32
    %add3A = arith.addi %mul3A_0, %arg0 : i32
    %mul3A_1 = arith.constant 64 : i32
    %mul3A_2 = arith.muli %add3A, %mul3A_1 : i32
    "tpu.region"() ({
      %run_scoped3A = tpu.sem_alloc : memref<!tpu.dma_semaphore, #tpu.memory_space<semaphore_mem>>
      %dma_start3A_7 = tpu.memref_slice %arg3[%mul3A_2] : memref<2048xi32, #tpu.memory_space<hbm>> -> memref<64xi32, #tpu.memory_space<hbm>>
      %dma_start3A_8 = tpu.memref_slice %arg3[%mul3A_2] : memref<2048xi32, #tpu.memory_space<hbm>> -> memref<64xi32, #tpu.memory_space<hbm>>
      tpu.enqueue_dma source(%dma_start3A_8 : memref<64xi32, #tpu.memory_space<hbm>>) target(%arg5 : memref<64xi32, #tpu.memory_space<vmem>>) target_semaphore(%run_scoped3A : memref<!tpu.dma_semaphore, #tpu.memory_space<semaphore_mem>>)
      %dma_wait3A_9 = tpu.memref_slice %arg3[%mul3A_2] : memref<2048xi32, #tpu.memory_space<hbm>> -> memref<64xi32, #tpu.memory_space<hbm>>
      %dma_wait3A_10 = tpu.memref_slice %arg3[%mul3A_2] : memref<2048xi32, #tpu.memory_space<hbm>> -> memref<64xi32, #tpu.memory_space<hbm>>
      tpu.wait_dma2 semaphore(%run_scoped3A : memref<!tpu.dma_semaphore, #tpu.memory_space<semaphore_mem>>) src(%dma_wait3A_10 : memref<64xi32, #tpu.memory_space<hbm>>) dst(%arg5 : memref<64xi32, #tpu.memory_space<vmem>>)
      tpu.yield
    }) : () -> ()
    %dma_start3A = arith.constant 0 : i32
    %dma_start3A_3 = arith.constant 0 : i32
    %dma_start3A_4 = tpu.memref_slice %arg2[%dma_start3A, %dma_start3A_3] : memref<2048x768xf32, #tpu.memory_space<hbm>> -> memref<2048x768xf32, #tpu.memory_space<hbm>>
    tpu.enqueue_indirect_dma source(%dma_start3A_4 : memref<2048x768xf32, #tpu.memory_space<hbm>>) target(%arg6 : memref<64x768xf32, #tpu.memory_space<vmem>>) offsets(%arg5 : memref<64xi32, #tpu.memory_space<vmem>>) semaphore(%arg7 : memref<!tpu.dma_semaphore, #tpu.memory_space<semaphore_mem>>)
    %dma_wait3A = arith.constant 0 : i32
    %dma_wait3A_5 = arith.constant 0 : i32
    %dma_wait3A_6 = tpu.memref_slice %arg2[%dma_wait3A, %dma_wait3A_5] : memref<2048x768xf32, #tpu.memory_space<hbm>> -> memref<2048x768xf32, #tpu.memory_space<hbm>>
    tpu.wait_indirect_dma semaphore(%arg7 : memref<!tpu.dma_semaphore, #tpu.memory_space<semaphore_mem>>) src(%dma_wait3A_6 : memref<2048x768xf32, #tpu.memory_space<hbm>>) dst(%arg6 : memref<64x768xf32, #tpu.memory_space<vmem>>)
    "tpu.region"() ({
      %run_scoped3A = tpu.sem_alloc : memref<!tpu.dma_semaphore, #tpu.memory_space<semaphore_mem>>
      %dma_start3A_7 = arith.constant 0 : i32
      %dma_start3A_8 = tpu.memref_slice %arg4[%mul3A_2, %dma_start3A_7] : memref<2048x768xf32, #tpu.memory_space<hbm>> -> memref<64x768xf32, #tpu.memory_space<hbm>>
      %dma_start3A_9 = arith.constant 0 : i32
      %dma_start3A_10 = tpu.memref_slice %arg4[%mul3A_2, %dma_start3A_9] : memref<2048x768xf32, #tpu.memory_space<hbm>> -> memref<64x768xf32, #tpu.memory_space<hbm>>
      tpu.enqueue_dma source(%arg6 : memref<64x768xf32, #tpu.memory_space<vmem>>) target(%dma_start3A_10 : memref<64x768xf32, #tpu.memory_space<hbm>>) target_semaphore(%run_scoped3A : memref<!tpu.dma_semaphore, #tpu.memory_space<semaphore_mem>>)
      %dma_wait3A_11 = arith.constant 0 : i32
      %dma_wait3A_12 = tpu.memref_slice %arg4[%mul3A_2, %dma_wait3A_11] : memref<2048x768xf32, #tpu.memory_space<hbm>> -> memref<64x768xf32, #tpu.memory_space<hbm>>
      %dma_wait3A_13 = arith.constant 0 : i32
      %dma_wait3A_14 = tpu.memref_slice %arg4[%mul3A_2, %dma_wait3A_13] : memref<2048x768xf32, #tpu.memory_space<hbm>> -> memref<64x768xf32, #tpu.memory_space<hbm>>
      tpu.wait_dma2 semaphore(%run_scoped3A : memref<!tpu.dma_semaphore, #tpu.memory_space<semaphore_mem>>) src(%arg6 : memref<64x768xf32, #tpu.memory_space<vmem>>) dst(%dma_wait3A_14 : memref<64x768xf32, #tpu.memory_space<hbm>>)
      tpu.yield
    }) : () -> ()
    return
  }
}

module attributes {stable_mosaic.version = 14 : i64} {
  func.func @_route_kernel(%arg0: memref<2048x1xi32, #tpu.memory_space<vmem>>, %arg1: memref<2048x768xf32, #tpu.memory_space<vmem>>, %arg2: memref<128x768xf32, #tpu.memory_space<vmem>>, %arg3: memref<1x128xf32, #tpu.memory_space<vmem>>, %arg4: memref<2048x1xi32, #tpu.memory_space<vmem>>, %arg5: memref<2048x1xi32, #tpu.memory_space<vmem>>, %arg6: memref<2048x1xi32, #tpu.memory_space<vmem>>, %arg7: memref<1x1xf32, #tpu.memory_space<vmem>>, %arg8: memref<24x128xi32, #tpu.memory_space<vmem>>) attributes {dimension_semantics = [], scalar_prefetch = 0 : i64, scratch_operands = 0 : i64, tpu.core_type = #tpu.core_type<tc>} {
    %get3A = arith.constant 0 : index
    %get3A_0 = arith.constant 0 : index
    %get3A_1 = vector.load %arg0[%get3A, %get3A_0] : memref<2048x1xi32, #tpu.memory_space<vmem>>, vector<2048x1xi32>
    %jit3A = arith.constant 128 : i32
    %div3A = vector.broadcast %jit3A : i32 to vector<2048x1xi32>
    %div3A_2 = arith.divsi %get3A_1, %div3A : vector<2048x1xi32>
    %sign3A = arith.constant 0 : i32
    %sign3A_3 = vector.broadcast %sign3A : i32 to vector<2048x1xi32>
    %sign3A_4 = arith.cmpi sgt, %get3A_1, %sign3A_3 : vector<2048x1xi32>
    %sign3A_5 = arith.extui %sign3A_4 : vector<2048x1xi1> to vector<2048x1xi32>
    %sign3A_6 = arith.constant 0 : i32
    %sign3A_7 = vector.broadcast %sign3A_6 : i32 to vector<2048x1xi32>
    %sign3A_8 = arith.cmpi slt, %get3A_1, %sign3A_7 : vector<2048x1xi32>
    %sign3A_9 = arith.extui %sign3A_8 : vector<2048x1xi1> to vector<2048x1xi32>
    %sign3A_10 = arith.subi %sign3A_5, %sign3A_9 : vector<2048x1xi32>
    %sign3A_11 = arith.constant 0 : i32
    %sign3A_12 = arith.cmpi sgt, %jit3A, %sign3A_11 : i32
    %sign3A_13 = arith.extui %sign3A_12 : i1 to i32
    %sign3A_14 = arith.constant 0 : i32
    %sign3A_15 = arith.cmpi slt, %jit3A, %sign3A_14 : i32
    %sign3A_16 = arith.extui %sign3A_15 : i1 to i32
    %sign3A_17 = arith.subi %sign3A_13, %sign3A_16 : i32
    %ne3A = vector.broadcast %sign3A_17 : i32 to vector<2048x1xi32>
    %ne3A_18 = arith.cmpi ne, %sign3A_10, %ne3A : vector<2048x1xi32>
    %rem3A = vector.broadcast %jit3A : i32 to vector<2048x1xi32>
    %rem3A_19 = arith.remsi %get3A_1, %rem3A : vector<2048x1xi32>
    %ne3A_20 = arith.constant 0 : i32
    %ne3A_21 = vector.broadcast %ne3A_20 : i32 to vector<2048x1xi32>
    %ne3A_22 = arith.cmpi ne, %rem3A_19, %ne3A_21 : vector<2048x1xi32>
    %and3A = arith.andi %ne3A_18, %ne3A_22 : vector<2048x1xi1>
    %sub3A = arith.constant 1 : i32
    %sub3A_23 = vector.broadcast %sub3A : i32 to vector<2048x1xi32>
    %sub3A_24 = arith.subi %div3A_2, %sub3A_23 : vector<2048x1xi32>
    %select_n3A = arith.select %and3A, %sub3A_24, %div3A_2 : vector<2048x1xi1>, vector<2048x1xi32>
    %jit3A_25 = arith.constant 128 : i32
    %eq3A = arith.constant 0 : i32
    %eq3A_26 = arith.cmpi eq, %jit3A_25, %eq3A : i32
    %jit3A_27 = arith.constant 1 : i32
    %select_n3A_28 = arith.select %eq3A_26, %jit3A_27, %jit3A_25 : i32
    %rem3A_29 = vector.broadcast %select_n3A_28 : i32 to vector<2048x1xi32>
    %rem3A_30 = arith.remsi %get3A_1, %rem3A_29 : vector<2048x1xi32>
    %ne3A_31 = arith.constant 0 : i32
    %ne3A_32 = vector.broadcast %ne3A_31 : i32 to vector<2048x1xi32>
    %ne3A_33 = arith.cmpi ne, %rem3A_30, %ne3A_32 : vector<2048x1xi32>
    %lt3A = arith.constant 0 : i32
    %lt3A_34 = vector.broadcast %lt3A : i32 to vector<2048x1xi32>
    %lt3A_35 = arith.cmpi slt, %rem3A_30, %lt3A_34 : vector<2048x1xi32>
    %lt3A_36 = arith.constant 0 : i32
    %lt3A_37 = arith.cmpi slt, %select_n3A_28, %lt3A_36 : i32
    %ne3A_38 = vector.broadcast %lt3A_37 : i1 to vector<2048x1xi1>
    %ne3A_39 = vector.broadcast %ne3A_38 : vector<2048x1xi1> to vector<2048x1xi1>
    %ne3A_40 = arith.xori %lt3A_35, %ne3A_39 : vector<2048x1xi1>
    %and3A_41 = arith.andi %ne3A_40, %ne3A_33 : vector<2048x1xi1>
    %add3A = vector.broadcast %select_n3A_28 : i32 to vector<2048x1xi32>
    %add3A_42 = arith.addi %rem3A_30, %add3A : vector<2048x1xi32>
    %select_n3A_43 = arith.select %and3A_41, %add3A_42, %rem3A_30 : vector<2048x1xi1>, vector<2048x1xi32>
    %get3A_44 = arith.constant 0 : index
    %get3A_45 = arith.constant 0 : index
    %get3A_46 = vector.load %arg1[%get3A_44, %get3A_45] : memref<2048x768xf32, #tpu.memory_space<vmem>>, vector<2048x768xf32>
    %convert_element_type3A = arith.truncf %get3A_46 : vector<2048x768xf32> to vector<2048x768xbf16>
    %get3A_47 = arith.constant 0 : index
    %get3A_48 = arith.constant 0 : index
    %get3A_49 = vector.load %arg2[%get3A_47, %get3A_48] : memref<128x768xf32, #tpu.memory_space<vmem>>, vector<128x768xf32>
    %convert_element_type3A_50 = arith.truncf %get3A_49 : vector<128x768xf32> to vector<128x768xbf16>
    %dot_general3A = arith.constant dense<0.000000e+00> : vector<2048x128xf32>
    %dot_general3A_51 = tpu.matmul %convert_element_type3A, %convert_element_type3A_50, %dot_general3A {dimension_numbers = #tpu.dot_dimension_numbers<[1], [1], [0], [0], [0, 0, 1, 0], [], []>, transpose_lhs_hint = false} : vector<2048x768xbf16>, vector<128x768xbf16>, vector<2048x128xf32> -> vector<2048x128xf32>
    %get3A_52 = arith.constant 0 : index
    %get3A_53 = arith.constant 0 : index
    %get3A_54 = vector.load %arg3[%get3A_52, %get3A_53] : memref<1x128xf32, #tpu.memory_space<vmem>>, vector<1x128xf32>
    %add3A_55 = vector.broadcast %get3A_54 : vector<1x128xf32> to vector<2048x128xf32>
    %add3A_56 = arith.addf %dot_general3A_51, %add3A_55 : vector<2048x128xf32>
    %iota3A = tpu.iota {dimensions = array<i32: 1>} : vector<2048x128xi32>
    %eq3A_57 = vector.broadcast %select_n3A : vector<2048x1xi32> to vector<2048x128xi32>
    %eq3A_58 = arith.cmpi eq, %eq3A_57, %iota3A : vector<2048x128xi32>
    %convert_element_type3A_59 = arith.extui %eq3A_58 : vector<2048x128xi1> to vector<2048x128xi32>
    %convert_element_type3A_60 = arith.sitofp %convert_element_type3A_59 : vector<2048x128xi32> to vector<2048x128xf32>
    %reduce_max3A = arith.constant dense<0xFF800000> : vector<2048xf32>
    %reduce_max3A_61 = vector.multi_reduction <maximumf>, %add3A_56, %reduce_max3A [1] : vector<2048x128xf32> to vector<2048xf32>
    %broadcast_in_dim3A = vector.shape_cast %reduce_max3A_61 : vector<2048xf32> to vector<2048x1xf32>
    %squeeze3A = vector.shape_cast %broadcast_in_dim3A : vector<2048x1xf32> to vector<2048xf32>
    %sub3A_62 = vector.broadcast %broadcast_in_dim3A : vector<2048x1xf32> to vector<2048x128xf32>
    %sub3A_63 = arith.subf %add3A_56, %sub3A_62 : vector<2048x128xf32>
    %exp3A = math.exp %sub3A_63 : vector<2048x128xf32>
    %reduce_sum3A = arith.constant dense<0.000000e+00> : vector<2048xf32>
    %reduce_sum3A_64 = vector.multi_reduction <add>, %exp3A, %reduce_sum3A [1] : vector<2048x128xf32> to vector<2048xf32>
    %log3A = math.log %reduce_sum3A_64 : vector<2048xf32>
    %add3A_65 = arith.addf %squeeze3A, %log3A : vector<2048xf32>
    %mul3A = arith.mulf %convert_element_type3A_60, %add3A_56 : vector<2048x128xf32>
    %reduce_sum3A_66 = arith.constant dense<0.000000e+00> : vector<2048xf32>
    %reduce_sum3A_67 = vector.multi_reduction <add>, %mul3A, %reduce_sum3A_66 [1] : vector<2048x128xf32> to vector<2048xf32>
    %sub3A_68 = arith.subf %add3A_65, %reduce_sum3A_67 : vector<2048xf32>
    %reduce_sum3A_69 = vector.shape_cast %sub3A_68 : vector<2048xf32> to vector<1x2048xf32>
    %reduce_sum3A_70 = arith.constant dense<0.000000e+00> : vector<1xf32>
    %reduce_sum3A_71 = vector.multi_reduction <add>, %reduce_sum3A_69, %reduce_sum3A_70 [1] : vector<1x2048xf32> to vector<1xf32>
    %reduce_sum3A_72 = vector.shape_cast %reduce_sum3A_71 : vector<1xf32> to vector<1x1xf32>
    %reduce_sum3A_73 = vector.extract %reduce_sum3A_72[0, 0] : f32 from vector<1x1xf32>
    %mul3A_74 = arith.constant 4.8828125E-4 : f32
    %mul3A_75 = arith.mulf %reduce_sum3A_73, %mul3A_74 : f32
    %reshape3A = vector.broadcast %mul3A_75 : f32 to vector<1x1xf32>
    %swap3A = arith.constant 0 : index
    %swap3A_76 = arith.constant 0 : index
    %swap3A_77 = vector.load %arg7[%swap3A, %swap3A_76] : memref<1x1xf32, #tpu.memory_space<vmem>>, vector<1x1xf32>
    tpu.vector_store %arg7[%swap3A, %swap3A_76], %reshape3A {strides = array<i32>} : memref<1x1xf32, #tpu.memory_space<vmem>>, vector<1x1xf32>,
    %lt3A_78 = vector.broadcast %select_n3A : vector<2048x1xi32> to vector<2048x128xi32>
    %lt3A_79 = arith.cmpi slt, %lt3A_78, %iota3A : vector<2048x128xi32>
    %convert_element_type3A_80 = arith.extui %lt3A_79 : vector<2048x128xi1> to vector<2048x128xi32>
    %convert_element_type3A_81 = arith.sitofp %convert_element_type3A_80 : vector<2048x128xi32> to vector<2048x128xf32>
    %reduce_sum3A_82 = arith.constant dense<0.000000e+00> : vector<128xf32>
    %reduce_sum3A_83 = vector.multi_reduction <add>, %convert_element_type3A_81, %reduce_sum3A_82 [0] : vector<2048x128xf32> to vector<128xf32>
    %broadcast_in_dim3A_84 = vector.shape_cast %reduce_sum3A_83 : vector<128xf32> to vector<1x128xf32>
    %iota3A_85 = tpu.iota {dimensions = array<i32: 0>} : vector<2048x1xi32>
    %convert_element_type3A_86 = arith.sitofp %iota3A_85 : vector<2048x1xi32> to vector<2048x1xf32>
    %sub3A_87 = vector.broadcast %convert_element_type3A_86 : vector<2048x1xf32> to vector<2048x128xf32>
    %sub3A_88 = vector.broadcast %broadcast_in_dim3A_84 : vector<1x128xf32> to vector<2048x128xf32>
    %sub3A_89 = arith.subf %sub3A_87, %sub3A_88 : vector<2048x128xf32>
    %ge3A = arith.constant 0.000000e+00 : f32
    %ge3A_90 = vector.broadcast %ge3A : f32 to vector<2048x128xf32>
    %ge3A_91 = arith.cmpf oge, %sub3A_89, %ge3A_90 : vector<2048x128xf32>
    %convert_element_type3A_92 = arith.extui %ge3A_91 : vector<2048x128xi1> to vector<2048x128xi32>
    %convert_element_type3A_93 = arith.sitofp %convert_element_type3A_92 : vector<2048x128xi32> to vector<2048x128xf32>
    %reduce_sum3A_94 = arith.constant dense<0.000000e+00> : vector<2048xf32>
    %reduce_sum3A_95 = vector.multi_reduction <add>, %convert_element_type3A_93, %reduce_sum3A_94 [1] : vector<2048x128xf32> to vector<2048xf32>
    %broadcast_in_dim3A_96 = vector.shape_cast %reduce_sum3A_95 : vector<2048xf32> to vector<2048x1xf32>
    %sub3A_97 = arith.constant 1.000000e+00 : f32
    %sub3A_98 = vector.broadcast %sub3A_97 : f32 to vector<2048x1xf32>
    %sub3A_99 = arith.subf %broadcast_in_dim3A_96, %sub3A_98 : vector<2048x1xf32>
    %sub3A_100 = arith.constant 1.000000e+00 : f32
    %sub3A_101 = vector.broadcast %sub3A_100 : f32 to vector<2048x1xf32>
    %sub3A_102 = arith.subf %convert_element_type3A_86, %sub3A_101 : vector<2048x1xf32>
    %sub3A_103 = vector.broadcast %sub3A_102 : vector<2048x1xf32> to vector<2048x128xf32>
    %sub3A_104 = vector.broadcast %broadcast_in_dim3A_84 : vector<1x128xf32> to vector<2048x128xf32>
    %sub3A_105 = arith.subf %sub3A_103, %sub3A_104 : vector<2048x128xf32>
    %ge3A_106 = arith.constant 0.000000e+00 : f32
    %ge3A_107 = vector.broadcast %ge3A_106 : f32 to vector<2048x128xf32>
    %ge3A_108 = arith.cmpf oge, %sub3A_105, %ge3A_107 : vector<2048x128xf32>
    %convert_element_type3A_109 = arith.extui %ge3A_108 : vector<2048x128xi1> to vector<2048x128xi32>
    %convert_element_type3A_110 = arith.sitofp %convert_element_type3A_109 : vector<2048x128xi32> to vector<2048x128xf32>
    %reduce_sum3A_111 = arith.constant dense<0.000000e+00> : vector<2048xf32>
    %reduce_sum3A_112 = vector.multi_reduction <add>, %convert_element_type3A_110, %reduce_sum3A_111 [1] : vector<2048x128xf32> to vector<2048xf32>
    %broadcast_in_dim3A_113 = vector.shape_cast %reduce_sum3A_112 : vector<2048xf32> to vector<2048x1xf32>
    %sub3A_114 = arith.constant 1.000000e+00 : f32
    %sub3A_115 = vector.broadcast %sub3A_114 : f32 to vector<2048x1xf32>
    %sub3A_116 = arith.subf %broadcast_in_dim3A_113, %sub3A_115 : vector<2048x1xf32>
    %mul3A_117 = arith.constant 1.250000e-01 : f32
    %mul3A_118 = vector.broadcast %mul3A_117 : f32 to vector<2048x1xf32>
    %mul3A_119 = arith.mulf %sub3A_99, %mul3A_118 : vector<2048x1xf32>
    %floor3A = math.floor %mul3A_119 : vector<2048x1xf32>
    %mul3A_120 = arith.constant 1.250000e-01 : f32
    %mul3A_121 = vector.broadcast %mul3A_120 : f32 to vector<2048x1xf32>
    %mul3A_122 = arith.mulf %sub3A_116, %mul3A_121 : vector<2048x1xf32>
    %floor3A_123 = math.floor %mul3A_122 : vector<2048x1xf32>
    %jit3A_124 = arith.constant 256 : i32
    %eq3A_125 = arith.constant 0 : i32
    %eq3A_126 = arith.cmpi eq, %jit3A_124, %eq3A_125 : i32
    %jit3A_127 = arith.constant 1 : i32
    %select_n3A_128 = arith.select %eq3A_126, %jit3A_127, %jit3A_124 : i32
    %rem3A_129 = vector.broadcast %select_n3A_128 : i32 to vector<2048x1xi32>
    %rem3A_130 = arith.remsi %iota3A_85, %rem3A_129 : vector<2048x1xi32>
    %ne3A_131 = arith.constant 0 : i32
    %ne3A_132 = vector.broadcast %ne3A_131 : i32 to vector<2048x1xi32>
    %ne3A_133 = arith.cmpi ne, %rem3A_130, %ne3A_132 : vector<2048x1xi32>
    %lt3A_134 = arith.constant 0 : i32
    %lt3A_135 = vector.broadcast %lt3A_134 : i32 to vector<2048x1xi32>
    %lt3A_136 = arith.cmpi slt, %rem3A_130, %lt3A_135 : vector<2048x1xi32>
    %lt3A_137 = arith.constant 0 : i32
    %lt3A_138 = arith.cmpi slt, %select_n3A_128, %lt3A_137 : i32
    %ne3A_139 = vector.broadcast %lt3A_138 : i1 to vector<2048x1xi1>
    %ne3A_140 = vector.broadcast %ne3A_139 : vector<2048x1xi1> to vector<2048x1xi1>
    %ne3A_141 = arith.xori %lt3A_136, %ne3A_140 : vector<2048x1xi1>
    %and3A_142 = arith.andi %ne3A_141, %ne3A_133 : vector<2048x1xi1>
    %add3A_143 = vector.broadcast %select_n3A_128 : i32 to vector<2048x1xi32>
    %add3A_144 = arith.addi %rem3A_130, %add3A_143 : vector<2048x1xi32>
    %select_n3A_145 = arith.select %and3A_142, %add3A_144, %rem3A_130 : vector<2048x1xi1>, vector<2048x1xi32>
    %eq3A_146 = arith.constant 0 : i32
    %eq3A_147 = vector.broadcast %eq3A_146 : i32 to vector<2048x1xi32>
    %eq3A_148 = arith.cmpi eq, %select_n3A_145, %eq3A_147 : vector<2048x1xi32>
    %convert_element_type3A_149 = arith.extui %eq3A_148 : vector<2048x1xi1> to vector<2048x1xi32>
    %convert_element_type3A_150 = arith.sitofp %convert_element_type3A_149 : vector<2048x1xi32> to vector<2048x1xf32>
    %ne3A_151 = arith.cmpf one, %floor3A, %floor3A_123 : vector<2048x1xf32>
    %convert_element_type3A_152 = arith.extui %ne3A_151 : vector<2048x1xi1> to vector<2048x1xi32>
    %convert_element_type3A_153 = arith.sitofp %convert_element_type3A_152 : vector<2048x1xi32> to vector<2048x1xf32>
    %max3A = arith.maximumf %convert_element_type3A_150, %convert_element_type3A_153 : vector<2048x1xf32>
    %iota3A_154 = tpu.iota {dimensions = array<i32: 1>} : vector<2048x136xi32>
    %eq3A_155 = vector.broadcast %select_n3A : vector<2048x1xi32> to vector<2048x136xi32>
    %eq3A_156 = arith.cmpi eq, %eq3A_155, %iota3A_154 : vector<2048x136xi32>
    %convert_element_type3A_157 = arith.extui %eq3A_156 : vector<2048x136xi1> to vector<2048x136xi32>
    %convert_element_type3A_158 = arith.sitofp %convert_element_type3A_157 : vector<2048x136xi32> to vector<2048x136xf32>
    %eq3A_159 = arith.constant 128 : i32
    %eq3A_160 = vector.broadcast %eq3A_159 : i32 to vector<2048x136xi32>
    %eq3A_161 = arith.cmpi eq, %iota3A_154, %eq3A_160 : vector<2048x136xi32>
    %convert_element_type3A_162 = arith.extui %eq3A_161 : vector<2048x136xi1> to vector<2048x136xi32>
    %convert_element_type3A_163 = arith.sitofp %convert_element_type3A_162 : vector<2048x136xi32> to vector<2048x136xf32>
    %mul3A_164 = vector.broadcast %max3A : vector<2048x1xf32> to vector<2048x136xf32>
    %mul3A_165 = arith.mulf %convert_element_type3A_163, %mul3A_164 : vector<2048x136xf32>
    %add3A_166 = arith.addf %convert_element_type3A_158, %mul3A_165 : vector<2048x136xf32>
    %convert_element_type3A_167 = arith.truncf %add3A_166 : vector<2048x136xf32> to vector<2048x136xbf16>
    %iota3A_168 = tpu.iota {dimensions = array<i32: 0>} : vector<128x128xi32>
    %iota3A_169 = tpu.iota {dimensions = array<i32: 1>} : vector<128x128xi32>
    %ge3A_170 = arith.cmpi sge, %iota3A_168, %iota3A_169 : vector<128x128xi32>
    %convert_element_type3A_171 = arith.extui %ge3A_170 : vector<128x128xi1> to vector<128x128xi32>
    %convert_element_type3A_172 = arith.sitofp %convert_element_type3A_171 : vector<128x128xi32> to vector<128x128xf32>
    %convert_element_type3A_173 = arith.truncf %convert_element_type3A_172 : vector<128x128xf32> to vector<128x128xbf16>
    %broadcast_in_dim3A_174 = arith.constant 0.000000e+00 : f32
    %broadcast_in_dim3A_175 = vector.broadcast %broadcast_in_dim3A_174 : f32 to vector<1x136xf32>
    %slice3A = vector.extract_strided_slice %convert_element_type3A_167 {offsets = [0, 0], sizes = [128, 136], strides = [1, 1]} : vector<2048x136xbf16> to vector<128x136xbf16>
    %dot_general3A_176 = arith.constant dense<0.000000e+00> : vector<128x136xf32>
    %dot_general3A_177 = tpu.matmul %convert_element_type3A_173, %slice3A, %dot_general3A_176 {dimension_numbers = #tpu.dot_dimension_numbers<[1], [0], [0], [1], [0, 0, 1, 1], [], []>, transpose_lhs_hint = false} : vector<128x128xbf16>, vector<128x136xbf16>, vector<128x136xf32> -> vector<128x136xf32>
    %add3A_178 = vector.broadcast %broadcast_in_dim3A_175 : vector<1x136xf32> to vector<128x136xf32>
    %add3A_179 = arith.addf %dot_general3A_177, %add3A_178 : vector<128x136xf32>
    %slice3A_180 = vector.extract_strided_slice %add3A_179 {offsets = [127, 0], sizes = [1, 136], strides = [1, 1]} : vector<128x136xf32> to vector<1x136xf32>
    %slice3A_181 = vector.extract_strided_slice %convert_element_type3A_167 {offsets = [128, 0], sizes = [128, 136], strides = [1, 1]} : vector<2048x136xbf16> to vector<128x136xbf16>
    %dot_general3A_182 = arith.constant dense<0.000000e+00> : vector<128x136xf32>
    %dot_general3A_183 = tpu.matmul %convert_element_type3A_173, %slice3A_181, %dot_general3A_182 {dimension_numbers = #tpu.dot_dimension_numbers<[1], [0], [0], [1], [0, 0, 1, 1], [], []>, transpose_lhs_hint = false} : vector<128x128xbf16>, vector<128x136xbf16>, vector<128x136xf32> -> vector<128x136xf32>
    %add3A_184 = vector.broadcast %slice3A_180 : vector<1x136xf32> to vector<128x136xf32>
    %add3A_185 = arith.addf %dot_general3A_183, %add3A_184 : vector<128x136xf32>
    %slice3A_186 = vector.extract_strided_slice %add3A_185 {offsets = [127, 0], sizes = [1, 136], strides = [1, 1]} : vector<128x136xf32> to vector<1x136xf32>
    %slice3A_187 = vector.extract_strided_slice %convert_element_type3A_167 {offsets = [256, 0], sizes = [128, 136], strides = [1, 1]} : vector<2048x136xbf16> to vector<128x136xbf16>
    %dot_general3A_188 = arith.constant dense<0.000000e+00> : vector<128x136xf32>
    %dot_general3A_189 = tpu.matmul %convert_element_type3A_173, %slice3A_187, %dot_general3A_188 {dimension_numbers = #tpu.dot_dimension_numbers<[1], [0], [0], [1], [0, 0, 1, 1], [], []>, transpose_lhs_hint = false} : vector<128x128xbf16>, vector<128x136xbf16>, vector<128x136xf32> -> vector<128x136xf32>
    %add3A_190 = vector.broadcast %slice3A_186 : vector<1x136xf32> to vector<128x136xf32>
    %add3A_191 = arith.addf %dot_general3A_189, %add3A_190 : vector<128x136xf32>
    %slice3A_192 = vector.extract_strided_slice %add3A_191 {offsets = [127, 0], sizes = [1, 136], strides = [1, 1]} : vector<128x136xf32> to vector<1x136xf32>
    %slice3A_193 = vector.extract_strided_slice %convert_element_type3A_167 {offsets = [384, 0], sizes = [128, 136], strides = [1, 1]} : vector<2048x136xbf16> to vector<128x136xbf16>
    %dot_general3A_194 = arith.constant dense<0.000000e+00> : vector<128x136xf32>
    %dot_general3A_195 = tpu.matmul %convert_element_type3A_173, %slice3A_193, %dot_general3A_194 {dimension_numbers = #tpu.dot_dimension_numbers<[1], [0], [0], [1], [0, 0, 1, 1], [], []>, transpose_lhs_hint = false} : vector<128x128xbf16>, vector<128x136xbf16>, vector<128x136xf32> -> vector<128x136xf32>
    %add3A_196 = vector.broadcast %slice3A_192 : vector<1x136xf32> to vector<128x136xf32>
    %add3A_197 = arith.addf %dot_general3A_195, %add3A_196 : vector<128x136xf32>
    %slice3A_198 = vector.extract_strided_slice %add3A_197 {offsets = [127, 0], sizes = [1, 136], strides = [1, 1]} : vector<128x136xf32> to vector<1x136xf32>
    %slice3A_199 = vector.extract_strided_slice %convert_element_type3A_167 {offsets = [512, 0], sizes = [128, 136], strides = [1, 1]} : vector<2048x136xbf16> to vector<128x136xbf16>
    %dot_general3A_200 = arith.constant dense<0.000000e+00> : vector<128x136xf32>
    %dot_general3A_201 = tpu.matmul %convert_element_type3A_173, %slice3A_199, %dot_general3A_200 {dimension_numbers = #tpu.dot_dimension_numbers<[1], [0], [0], [1], [0, 0, 1, 1], [], []>, transpose_lhs_hint = false} : vector<128x128xbf16>, vector<128x136xbf16>, vector<128x136xf32> -> vector<128x136xf32>
    %add3A_202 = vector.broadcast %slice3A_198 : vector<1x136xf32> to vector<128x136xf32>
    %add3A_203 = arith.addf %dot_general3A_201, %add3A_202 : vector<128x136xf32>
    %slice3A_204 = vector.extract_strided_slice %add3A_203 {offsets = [127, 0], sizes = [1, 136], strides = [1, 1]} : vector<128x136xf32> to vector<1x136xf32>
    %slice3A_205 = vector.extract_strided_slice %convert_element_type3A_167 {offsets = [640, 0], sizes = [128, 136], strides = [1, 1]} : vector<2048x136xbf16> to vector<128x136xbf16>
    %dot_general3A_206 = arith.constant dense<0.000000e+00> : vector<128x136xf32>
    %dot_general3A_207 = tpu.matmul %convert_element_type3A_173, %slice3A_205, %dot_general3A_206 {dimension_numbers = #tpu.dot_dimension_numbers<[1], [0], [0], [1], [0, 0, 1, 1], [], []>, transpose_lhs_hint = false} : vector<128x128xbf16>, vector<128x136xbf16>, vector<128x136xf32> -> vector<128x136xf32>
    %add3A_208 = vector.broadcast %slice3A_204 : vector<1x136xf32> to vector<128x136xf32>
    %add3A_209 = arith.addf %dot_general3A_207, %add3A_208 : vector<128x136xf32>
    %slice3A_210 = vector.extract_strided_slice %add3A_209 {offsets = [127, 0], sizes = [1, 136], strides = [1, 1]} : vector<128x136xf32> to vector<1x136xf32>
    %slice3A_211 = vector.extract_strided_slice %convert_element_type3A_167 {offsets = [768, 0], sizes = [128, 136], strides = [1, 1]} : vector<2048x136xbf16> to vector<128x136xbf16>
    %dot_general3A_212 = arith.constant dense<0.000000e+00> : vector<128x136xf32>
    %dot_general3A_213 = tpu.matmul %convert_element_type3A_173, %slice3A_211, %dot_general3A_212 {dimension_numbers = #tpu.dot_dimension_numbers<[1], [0], [0], [1], [0, 0, 1, 1], [], []>, transpose_lhs_hint = false} : vector<128x128xbf16>, vector<128x136xbf16>, vector<128x136xf32> -> vector<128x136xf32>
    %add3A_214 = vector.broadcast %slice3A_210 : vector<1x136xf32> to vector<128x136xf32>
    %add3A_215 = arith.addf %dot_general3A_213, %add3A_214 : vector<128x136xf32>
    %slice3A_216 = vector.extract_strided_slice %add3A_215 {offsets = [127, 0], sizes = [1, 136], strides = [1, 1]} : vector<128x136xf32> to vector<1x136xf32>
    %slice3A_217 = vector.extract_strided_slice %convert_element_type3A_167 {offsets = [896, 0], sizes = [128, 136], strides = [1, 1]} : vector<2048x136xbf16> to vector<128x136xbf16>
    %dot_general3A_218 = arith.constant dense<0.000000e+00> : vector<128x136xf32>
    %dot_general3A_219 = tpu.matmul %convert_element_type3A_173, %slice3A_217, %dot_general3A_218 {dimension_numbers = #tpu.dot_dimension_numbers<[1], [0], [0], [1], [0, 0, 1, 1], [], []>, transpose_lhs_hint = false} : vector<128x128xbf16>, vector<128x136xbf16>, vector<128x136xf32> -> vector<128x136xf32>
    %add3A_220 = vector.broadcast %slice3A_216 : vector<1x136xf32> to vector<128x136xf32>
    %add3A_221 = arith.addf %dot_general3A_219, %add3A_220 : vector<128x136xf32>
    %slice3A_222 = vector.extract_strided_slice %add3A_221 {offsets = [127, 0], sizes = [1, 136], strides = [1, 1]} : vector<128x136xf32> to vector<1x136xf32>
    %slice3A_223 = vector.extract_strided_slice %convert_element_type3A_167 {offsets = [1024, 0], sizes = [128, 136], strides = [1, 1]} : vector<2048x136xbf16> to vector<128x136xbf16>
    %dot_general3A_224 = arith.constant dense<0.000000e+00> : vector<128x136xf32>
    %dot_general3A_225 = tpu.matmul %convert_element_type3A_173, %slice3A_223, %dot_general3A_224 {dimension_numbers = #tpu.dot_dimension_numbers<[1], [0], [0], [1], [0, 0, 1, 1], [], []>, transpose_lhs_hint = false} : vector<128x128xbf16>, vector<128x136xbf16>, vector<128x136xf32> -> vector<128x136xf32>
    %add3A_226 = vector.broadcast %slice3A_222 : vector<1x136xf32> to vector<128x136xf32>
    %add3A_227 = arith.addf %dot_general3A_225, %add3A_226 : vector<128x136xf32>
    %slice3A_228 = vector.extract_strided_slice %add3A_227 {offsets = [127, 0], sizes = [1, 136], strides = [1, 1]} : vector<128x136xf32> to vector<1x136xf32>
    %slice3A_229 = vector.extract_strided_slice %convert_element_type3A_167 {offsets = [1152, 0], sizes = [128, 136], strides = [1, 1]} : vector<2048x136xbf16> to vector<128x136xbf16>
    %dot_general3A_230 = arith.constant dense<0.000000e+00> : vector<128x136xf32>
    %dot_general3A_231 = tpu.matmul %convert_element_type3A_173, %slice3A_229, %dot_general3A_230 {dimension_numbers = #tpu.dot_dimension_numbers<[1], [0], [0], [1], [0, 0, 1, 1], [], []>, transpose_lhs_hint = false} : vector<128x128xbf16>, vector<128x136xbf16>, vector<128x136xf32> -> vector<128x136xf32>
    %add3A_232 = vector.broadcast %slice3A_228 : vector<1x136xf32> to vector<128x136xf32>
    %add3A_233 = arith.addf %dot_general3A_231, %add3A_232 : vector<128x136xf32>
    %slice3A_234 = vector.extract_strided_slice %add3A_233 {offsets = [127, 0], sizes = [1, 136], strides = [1, 1]} : vector<128x136xf32> to vector<1x136xf32>
    %slice3A_235 = vector.extract_strided_slice %convert_element_type3A_167 {offsets = [1280, 0], sizes = [128, 136], strides = [1, 1]} : vector<2048x136xbf16> to vector<128x136xbf16>
    %dot_general3A_236 = arith.constant dense<0.000000e+00> : vector<128x136xf32>
    %dot_general3A_237 = tpu.matmul %convert_element_type3A_173, %slice3A_235, %dot_general3A_236 {dimension_numbers = #tpu.dot_dimension_numbers<[1], [0], [0], [1], [0, 0, 1, 1], [], []>, transpose_lhs_hint = false} : vector<128x128xbf16>, vector<128x136xbf16>, vector<128x136xf32> -> vector<128x136xf32>
    %add3A_238 = vector.broadcast %slice3A_234 : vector<1x136xf32> to vector<128x136xf32>
    %add3A_239 = arith.addf %dot_general3A_237, %add3A_238 : vector<128x136xf32>
    %slice3A_240 = vector.extract_strided_slice %add3A_239 {offsets = [127, 0], sizes = [1, 136], strides = [1, 1]} : vector<128x136xf32> to vector<1x136xf32>
    %slice3A_241 = vector.extract_strided_slice %convert_element_type3A_167 {offsets = [1408, 0], sizes = [128, 136], strides = [1, 1]} : vector<2048x136xbf16> to vector<128x136xbf16>
    %dot_general3A_242 = arith.constant dense<0.000000e+00> : vector<128x136xf32>
    %dot_general3A_243 = tpu.matmul %convert_element_type3A_173, %slice3A_241, %dot_general3A_242 {dimension_numbers = #tpu.dot_dimension_numbers<[1], [0], [0], [1], [0, 0, 1, 1], [], []>, transpose_lhs_hint = false} : vector<128x128xbf16>, vector<128x136xbf16>, vector<128x136xf32> -> vector<128x136xf32>
    %add3A_244 = vector.broadcast %slice3A_240 : vector<1x136xf32> to vector<128x136xf32>
    %add3A_245 = arith.addf %dot_general3A_243, %add3A_244 : vector<128x136xf32>
    %slice3A_246 = vector.extract_strided_slice %add3A_245 {offsets = [127, 0], sizes = [1, 136], strides = [1, 1]} : vector<128x136xf32> to vector<1x136xf32>
    %slice3A_247 = vector.extract_strided_slice %convert_element_type3A_167 {offsets = [1536, 0], sizes = [128, 136], strides = [1, 1]} : vector<2048x136xbf16> to vector<128x136xbf16>
    %dot_general3A_248 = arith.constant dense<0.000000e+00> : vector<128x136xf32>
    %dot_general3A_249 = tpu.matmul %convert_element_type3A_173, %slice3A_247, %dot_general3A_248 {dimension_numbers = #tpu.dot_dimension_numbers<[1], [0], [0], [1], [0, 0, 1, 1], [], []>, transpose_lhs_hint = false} : vector<128x128xbf16>, vector<128x136xbf16>, vector<128x136xf32> -> vector<128x136xf32>
    %add3A_250 = vector.broadcast %slice3A_246 : vector<1x136xf32> to vector<128x136xf32>
    %add3A_251 = arith.addf %dot_general3A_249, %add3A_250 : vector<128x136xf32>
    %slice3A_252 = vector.extract_strided_slice %add3A_251 {offsets = [127, 0], sizes = [1, 136], strides = [1, 1]} : vector<128x136xf32> to vector<1x136xf32>
    %slice3A_253 = vector.extract_strided_slice %convert_element_type3A_167 {offsets = [1664, 0], sizes = [128, 136], strides = [1, 1]} : vector<2048x136xbf16> to vector<128x136xbf16>
    %dot_general3A_254 = arith.constant dense<0.000000e+00> : vector<128x136xf32>
    %dot_general3A_255 = tpu.matmul %convert_element_type3A_173, %slice3A_253, %dot_general3A_254 {dimension_numbers = #tpu.dot_dimension_numbers<[1], [0], [0], [1], [0, 0, 1, 1], [], []>, transpose_lhs_hint = false} : vector<128x128xbf16>, vector<128x136xbf16>, vector<128x136xf32> -> vector<128x136xf32>
    %add3A_256 = vector.broadcast %slice3A_252 : vector<1x136xf32> to vector<128x136xf32>
    %add3A_257 = arith.addf %dot_general3A_255, %add3A_256 : vector<128x136xf32>
    %slice3A_258 = vector.extract_strided_slice %add3A_257 {offsets = [127, 0], sizes = [1, 136], strides = [1, 1]} : vector<128x136xf32> to vector<1x136xf32>
    %slice3A_259 = vector.extract_strided_slice %convert_element_type3A_167 {offsets = [1792, 0], sizes = [128, 136], strides = [1, 1]} : vector<2048x136xbf16> to vector<128x136xbf16>
    %dot_general3A_260 = arith.constant dense<0.000000e+00> : vector<128x136xf32>
    %dot_general3A_261 = tpu.matmul %convert_element_type3A_173, %slice3A_259, %dot_general3A_260 {dimension_numbers = #tpu.dot_dimension_numbers<[1], [0], [0], [1], [0, 0, 1, 1], [], []>, transpose_lhs_hint = false} : vector<128x128xbf16>, vector<128x136xbf16>, vector<128x136xf32> -> vector<128x136xf32>
    %add3A_262 = vector.broadcast %slice3A_258 : vector<1x136xf32> to vector<128x136xf32>
    %add3A_263 = arith.addf %dot_general3A_261, %add3A_262 : vector<128x136xf32>
    %slice3A_264 = vector.extract_strided_slice %add3A_263 {offsets = [127, 0], sizes = [1, 136], strides = [1, 1]} : vector<128x136xf32> to vector<1x136xf32>
    %slice3A_265 = vector.extract_strided_slice %convert_element_type3A_167 {offsets = [1920, 0], sizes = [128, 136], strides = [1, 1]} : vector<2048x136xbf16> to vector<128x136xbf16>
    %dot_general3A_266 = arith.constant dense<0.000000e+00> : vector<128x136xf32>
    %dot_general3A_267 = tpu.matmul %convert_element_type3A_173, %slice3A_265, %dot_general3A_266 {dimension_numbers = #tpu.dot_dimension_numbers<[1], [0], [0], [1], [0, 0, 1, 1], [], []>, transpose_lhs_hint = false} : vector<128x128xbf16>, vector<128x136xbf16>, vector<128x136xf32> -> vector<128x136xf32>
    %add3A_268 = vector.broadcast %slice3A_264 : vector<1x136xf32> to vector<128x136xf32>
    %add3A_269 = arith.addf %dot_general3A_267, %add3A_268 : vector<128x136xf32>
    %concatenate3A = tpu.concatenate %add3A_179, %add3A_185, %add3A_191, %add3A_197, %add3A_203, %add3A_209, %add3A_215, %add3A_221, %add3A_227, %add3A_233, %add3A_239, %add3A_245, %add3A_251, %add3A_257, %add3A_263, %add3A_269 in 0 : vector<128x136xf32>, vector<128x136xf32>, vector<128x136xf32>, vector<128x136xf32>, vector<128x136xf32>, vector<128x136xf32>, vector<128x136xf32>, vector<128x136xf32>, vector<128x136xf32>, vector<128x136xf32>, vector<128x136xf32>, vector<128x136xf32>, vector<128x136xf32>, vector<128x136xf32>, vector<128x136xf32>, vector<128x136xf32> -> vector<2048x136xf32>
    %slice3A_270 = vector.extract_strided_slice %concatenate3A {offsets = [0, 0], sizes = [2048, 128], strides = [1, 1]} : vector<2048x136xf32> to vector<2048x128xf32>
    %mul3A_271 = arith.mulf %convert_element_type3A_60, %slice3A_270 : vector<2048x128xf32>
    %reduce_sum3A_272 = arith.constant dense<0.000000e+00> : vector<2048xf32>
    %reduce_sum3A_273 = vector.multi_reduction <add>, %mul3A_271, %reduce_sum3A_272 [1] : vector<2048x128xf32> to vector<2048xf32>
    %broadcast_in_dim3A_274 = vector.shape_cast %reduce_sum3A_273 : vector<2048xf32> to vector<2048x1xf32>
    %sub3A_275 = arith.constant 1.000000e+00 : f32
    %sub3A_276 = vector.broadcast %sub3A_275 : f32 to vector<2048x1xf32>
    %sub3A_277 = arith.subf %broadcast_in_dim3A_274, %sub3A_276 : vector<2048x1xf32>
    %slice3A_278 = vector.extract_strided_slice %concatenate3A {offsets = [0, 128], sizes = [2048, 1], strides = [1, 1]} : vector<2048x136xf32> to vector<2048x1xf32>
    %sub3A_279 = arith.constant 1.000000e+00 : f32
    %sub3A_280 = vector.broadcast %sub3A_279 : f32 to vector<2048x1xf32>
    %sub3A_281 = arith.subf %slice3A_278, %sub3A_280 : vector<2048x1xf32>
    %mul3A_282 = vector.broadcast %broadcast_in_dim3A_84 : vector<1x128xf32> to vector<2048x128xf32>
    %mul3A_283 = arith.mulf %convert_element_type3A_60, %mul3A_282 : vector<2048x128xf32>
    %reduce_sum3A_284 = arith.constant dense<0.000000e+00> : vector<2048xf32>
    %reduce_sum3A_285 = vector.multi_reduction <add>, %mul3A_283, %reduce_sum3A_284 [1] : vector<2048x128xf32> to vector<2048xf32>
    %broadcast_in_dim3A_286 = vector.shape_cast %reduce_sum3A_285 : vector<2048xf32> to vector<2048x1xf32>
    %add3A_287 = arith.addf %broadcast_in_dim3A_286, %sub3A_277 : vector<2048x1xf32>
    %iota3A_288 = tpu.iota {dimensions = array<i32: 1>} : vector<2048x2048xi32>
    %convert_element_type3A_289 = arith.sitofp %iota3A_288 : vector<2048x2048xi32> to vector<2048x2048xf32>
    %eq3A_290 = vector.broadcast %add3A_287 : vector<2048x1xf32> to vector<2048x2048xf32>
    %eq3A_291 = arith.cmpf oeq, %eq3A_290, %convert_element_type3A_289 : vector<2048x2048xf32>
    %convert_element_type3A_292 = arith.extui %eq3A_291 : vector<2048x2048xi1> to vector<2048x2048xi32>
    %convert_element_type3A_293 = arith.sitofp %convert_element_type3A_292 : vector<2048x2048xi32> to vector<2048x2048xf32>
    %convert_element_type3A_294 = arith.truncf %convert_element_type3A_293 : vector<2048x2048xf32> to vector<2048x2048xbf16>
    %iota3A_295 = tpu.iota {dimensions = array<i32: 1>} : vector<2048x128xi32>
    %jit3A_296 = arith.constant 16 : i32
    %div3A_297 = vector.broadcast %jit3A_296 : i32 to vector<2048x1xi32>
    %div3A_298 = arith.divsi %iota3A_85, %div3A_297 : vector<2048x1xi32>
    %sign3A_299 = arith.constant 0 : i32
    %sign3A_300 = vector.broadcast %sign3A_299 : i32 to vector<2048x1xi32>
    %sign3A_301 = arith.cmpi sgt, %iota3A_85, %sign3A_300 : vector<2048x1xi32>
    %sign3A_302 = arith.extui %sign3A_301 : vector<2048x1xi1> to vector<2048x1xi32>
    %sign3A_303 = arith.constant 0 : i32
    %sign3A_304 = vector.broadcast %sign3A_303 : i32 to vector<2048x1xi32>
    %sign3A_305 = arith.cmpi slt, %iota3A_85, %sign3A_304 : vector<2048x1xi32>
    %sign3A_306 = arith.extui %sign3A_305 : vector<2048x1xi1> to vector<2048x1xi32>
    %sign3A_307 = arith.subi %sign3A_302, %sign3A_306 : vector<2048x1xi32>
    %sign3A_308 = arith.constant 0 : i32
    %sign3A_309 = arith.cmpi sgt, %jit3A_296, %sign3A_308 : i32
    %sign3A_310 = arith.extui %sign3A_309 : i1 to i32
    %sign3A_311 = arith.constant 0 : i32
    %sign3A_312 = arith.cmpi slt, %jit3A_296, %sign3A_311 : i32
    %sign3A_313 = arith.extui %sign3A_312 : i1 to i32
    %sign3A_314 = arith.subi %sign3A_310, %sign3A_313 : i32
    %ne3A_315 = vector.broadcast %sign3A_314 : i32 to vector<2048x1xi32>
    %ne3A_316 = arith.cmpi ne, %sign3A_307, %ne3A_315 : vector<2048x1xi32>
    %rem3A_317 = vector.broadcast %jit3A_296 : i32 to vector<2048x1xi32>
    %rem3A_318 = arith.remsi %iota3A_85, %rem3A_317 : vector<2048x1xi32>
    %ne3A_319 = arith.constant 0 : i32
    %ne3A_320 = vector.broadcast %ne3A_319 : i32 to vector<2048x1xi32>
    %ne3A_321 = arith.cmpi ne, %rem3A_318, %ne3A_320 : vector<2048x1xi32>
    %and3A_322 = arith.andi %ne3A_316, %ne3A_321 : vector<2048x1xi1>
    %sub3A_323 = arith.constant 1 : i32
    %sub3A_324 = vector.broadcast %sub3A_323 : i32 to vector<2048x1xi32>
    %sub3A_325 = arith.subi %div3A_298, %sub3A_324 : vector<2048x1xi32>
    %select_n3A_326 = arith.select %and3A_322, %sub3A_325, %div3A_298 : vector<2048x1xi1>, vector<2048x1xi32>
    %convert_element_type3A_327 = arith.sitofp %select_n3A_326 : vector<2048x1xi32> to vector<2048x1xf32>
    %jit3A_328 = arith.constant 16 : i32
    %eq3A_329 = arith.constant 0 : i32
    %eq3A_330 = arith.cmpi eq, %jit3A_328, %eq3A_329 : i32
    %jit3A_331 = arith.constant 1 : i32
    %select_n3A_332 = arith.select %eq3A_330, %jit3A_331, %jit3A_328 : i32
    %rem3A_333 = vector.broadcast %select_n3A_332 : i32 to vector<2048x1xi32>
    %rem3A_334 = arith.remsi %iota3A_85, %rem3A_333 : vector<2048x1xi32>
    %ne3A_335 = arith.constant 0 : i32
    %ne3A_336 = vector.broadcast %ne3A_335 : i32 to vector<2048x1xi32>
    %ne3A_337 = arith.cmpi ne, %rem3A_334, %ne3A_336 : vector<2048x1xi32>
    %lt3A_338 = arith.constant 0 : i32
    %lt3A_339 = vector.broadcast %lt3A_338 : i32 to vector<2048x1xi32>
    %lt3A_340 = arith.cmpi slt, %rem3A_334, %lt3A_339 : vector<2048x1xi32>
    %lt3A_341 = arith.constant 0 : i32
    %lt3A_342 = arith.cmpi slt, %select_n3A_332, %lt3A_341 : i32
    %ne3A_343 = vector.broadcast %lt3A_342 : i1 to vector<2048x1xi1>
    %ne3A_344 = vector.broadcast %ne3A_343 : vector<2048x1xi1> to vector<2048x1xi1>
    %ne3A_345 = arith.xori %lt3A_340, %ne3A_344 : vector<2048x1xi1>
    %and3A_346 = arith.andi %ne3A_345, %ne3A_337 : vector<2048x1xi1>
    %add3A_347 = vector.broadcast %select_n3A_332 : i32 to vector<2048x1xi32>
    %add3A_348 = arith.addi %rem3A_334, %add3A_347 : vector<2048x1xi32>
    %select_n3A_349 = arith.select %and3A_346, %add3A_348, %rem3A_334 : vector<2048x1xi1>, vector<2048x1xi32>
    %convert_element_type3A_350 = arith.sitofp %select_n3A_349 : vector<2048x1xi32> to vector<2048x1xf32>
    %eq3A_351 = arith.constant 0 : i32
    %eq3A_352 = vector.broadcast %eq3A_351 : i32 to vector<2048x128xi32>
    %eq3A_353 = arith.cmpi eq, %iota3A_295, %eq3A_352 : vector<2048x128xi32>
    %convert_element_type3A_354 = arith.extui %eq3A_353 : vector<2048x128xi1> to vector<2048x128xi32>
    %convert_element_type3A_355 = arith.sitofp %convert_element_type3A_354 : vector<2048x128xi32> to vector<2048x128xf32>
    %convert_element_type3A_356 = arith.sitofp %select_n3A_43 : vector<2048x1xi32> to vector<2048x1xf32>
    %mul3A_357 = vector.broadcast %convert_element_type3A_356 : vector<2048x1xf32> to vector<2048x128xf32>
    %mul3A_358 = arith.mulf %convert_element_type3A_355, %mul3A_357 : vector<2048x128xf32>
    %eq3A_359 = arith.constant 1 : i32
    %eq3A_360 = vector.broadcast %eq3A_359 : i32 to vector<2048x128xi32>
    %eq3A_361 = arith.cmpi eq, %iota3A_295, %eq3A_360 : vector<2048x128xi32>
    %convert_element_type3A_362 = arith.extui %eq3A_361 : vector<2048x128xi1> to vector<2048x128xi32>
    %convert_element_type3A_363 = arith.sitofp %convert_element_type3A_362 : vector<2048x128xi32> to vector<2048x128xf32>
    %mul3A_364 = vector.broadcast %convert_element_type3A_327 : vector<2048x1xf32> to vector<2048x128xf32>
    %mul3A_365 = arith.mulf %convert_element_type3A_363, %mul3A_364 : vector<2048x128xf32>
    %add3A_366 = arith.addf %mul3A_358, %mul3A_365 : vector<2048x128xf32>
    %eq3A_367 = arith.constant 2 : i32
    %eq3A_368 = vector.broadcast %eq3A_367 : i32 to vector<2048x128xi32>
    %eq3A_369 = arith.cmpi eq, %iota3A_295, %eq3A_368 : vector<2048x128xi32>
    %convert_element_type3A_370 = arith.extui %eq3A_369 : vector<2048x128xi1> to vector<2048x128xi32>
    %convert_element_type3A_371 = arith.sitofp %convert_element_type3A_370 : vector<2048x128xi32> to vector<2048x128xf32>
    %mul3A_372 = vector.broadcast %convert_element_type3A_350 : vector<2048x1xf32> to vector<2048x128xf32>
    %mul3A_373 = arith.mulf %convert_element_type3A_371, %mul3A_372 : vector<2048x128xf32>
    %add3A_374 = arith.addf %add3A_366, %mul3A_373 : vector<2048x128xf32>
    %convert_element_type3A_375 = arith.truncf %add3A_374 : vector<2048x128xf32> to vector<2048x128xbf16>
    %dot_general3A_376 = arith.constant dense<0.000000e+00> : vector<2048x128xf32>
    %dot_general3A_377 = tpu.matmul %convert_element_type3A_294, %convert_element_type3A_375, %dot_general3A_376 {dimension_numbers = #tpu.dot_dimension_numbers<[0], [0], [1], [1], [0, 1, 1, 1], [], []>, transpose_lhs_hint = false} : vector<2048x2048xbf16>, vector<2048x128xbf16>, vector<2048x128xf32> -> vector<2048x128xf32>
    %slice3A_378 = vector.extract_strided_slice %dot_general3A_377 {offsets = [0, 0], sizes = [2048, 1], strides = [1, 1]} : vector<2048x128xf32> to vector<2048x1xf32>
    %convert_element_type3A_379 = arith.fptosi %slice3A_378 : vector<2048x1xf32> to vector<2048x1xi32>
    %swap3A_380 = arith.constant 0 : index
    %swap3A_381 = arith.constant 0 : index
    %swap3A_382 = vector.load %arg6[%swap3A_380, %swap3A_381] : memref<2048x1xi32, #tpu.memory_space<vmem>>, vector<2048x1xi32>
    tpu.vector_store %arg6[%swap3A_380, %swap3A_381], %convert_element_type3A_379 {strides = array<i32>} : memref<2048x1xi32, #tpu.memory_space<vmem>>, vector<2048x1xi32>,
    %slice3A_383 = vector.extract_strided_slice %dot_general3A_377 {offsets = [0, 1], sizes = [2048, 1], strides = [1, 1]} : vector<2048x128xf32> to vector<2048x1xf32>
    %mul3A_384 = arith.constant 1.600000e+01 : f32
    %mul3A_385 = vector.broadcast %mul3A_384 : f32 to vector<2048x1xf32>
    %mul3A_386 = arith.mulf %mul3A_385, %slice3A_383 : vector<2048x1xf32>
    %slice3A_387 = vector.extract_strided_slice %dot_general3A_377 {offsets = [0, 2], sizes = [2048, 1], strides = [1, 1]} : vector<2048x128xf32> to vector<2048x1xf32>
    %add3A_388 = arith.addf %mul3A_386, %slice3A_387 : vector<2048x1xf32>
    %convert_element_type3A_389 = arith.fptosi %add3A_388 : vector<2048x1xf32> to vector<2048x1xi32>
    %swap3A_390 = arith.constant 0 : index
    %swap3A_391 = arith.constant 0 : index
    %swap3A_392 = vector.load %arg4[%swap3A_390, %swap3A_391] : memref<2048x1xi32, #tpu.memory_space<vmem>>, vector<2048x1xi32>
    tpu.vector_store %arg4[%swap3A_390, %swap3A_391], %convert_element_type3A_389 {strides = array<i32>} : memref<2048x1xi32, #tpu.memory_space<vmem>>, vector<2048x1xi32>,
    %convert_element_type3A_393 = arith.fptosi %sub3A_99 : vector<2048x1xf32> to vector<2048x1xi32>
    %swap3A_394 = arith.constant 0 : index
    %swap3A_395 = arith.constant 0 : index
    %swap3A_396 = vector.load %arg5[%swap3A_394, %swap3A_395] : memref<2048x1xi32, #tpu.memory_space<vmem>>, vector<2048x1xi32>
    tpu.vector_store %arg5[%swap3A_394, %swap3A_395], %convert_element_type3A_393 {strides = array<i32>} : memref<2048x1xi32, #tpu.memory_space<vmem>>, vector<2048x1xi32>,
    %iota3A_397 = tpu.iota {dimensions = array<i32: 1>} : vector<2048x24xi32>
    %convert_element_type3A_398 = arith.sitofp %iota3A_397 : vector<2048x24xi32> to vector<2048x24xf32>
    %eq3A_399 = vector.broadcast %sub3A_281 : vector<2048x1xf32> to vector<2048x24xf32>
    %eq3A_400 = arith.cmpf oeq, %eq3A_399, %convert_element_type3A_398 : vector<2048x24xf32>
    %convert_element_type3A_401 = arith.extui %eq3A_400 : vector<2048x24xi1> to vector<2048x24xi32>
    %convert_element_type3A_402 = arith.sitofp %convert_element_type3A_401 : vector<2048x24xi32> to vector<2048x24xf32>
    %convert_element_type3A_403 = arith.truncf %convert_element_type3A_402 : vector<2048x24xf32> to vector<2048x24xbf16>
    %convert_element_type3A_404 = arith.truncf %max3A : vector<2048x1xf32> to vector<2048x1xbf16>
    %mul3A_405 = vector.broadcast %convert_element_type3A_404 : vector<2048x1xbf16> to vector<2048x24xbf16>
    %mul3A_406 = arith.mulf %convert_element_type3A_403, %mul3A_405 : vector<2048x24xbf16>
    %jit3A_407 = arith.constant 16 : i32
    %div3A_408 = vector.broadcast %jit3A_407 : i32 to vector<2048x1xi32>
    %div3A_409 = arith.divsi %iota3A_85, %div3A_408 : vector<2048x1xi32>
    %sign3A_410 = arith.constant 0 : i32
    %sign3A_411 = vector.broadcast %sign3A_410 : i32 to vector<2048x1xi32>
    %sign3A_412 = arith.cmpi sgt, %iota3A_85, %sign3A_411 : vector<2048x1xi32>
    %sign3A_413 = arith.extui %sign3A_412 : vector<2048x1xi1> to vector<2048x1xi32>
    %sign3A_414 = arith.constant 0 : i32
    %sign3A_415 = vector.broadcast %sign3A_414 : i32 to vector<2048x1xi32>
    %sign3A_416 = arith.cmpi slt, %iota3A_85, %sign3A_415 : vector<2048x1xi32>
    %sign3A_417 = arith.extui %sign3A_416 : vector<2048x1xi1> to vector<2048x1xi32>
    %sign3A_418 = arith.subi %sign3A_413, %sign3A_417 : vector<2048x1xi32>
    %sign3A_419 = arith.constant 0 : i32
    %sign3A_420 = arith.cmpi sgt, %jit3A_407, %sign3A_419 : i32
    %sign3A_421 = arith.extui %sign3A_420 : i1 to i32
    %sign3A_422 = arith.constant 0 : i32
    %sign3A_423 = arith.cmpi slt, %jit3A_407, %sign3A_422 : i32
    %sign3A_424 = arith.extui %sign3A_423 : i1 to i32
    %sign3A_425 = arith.subi %sign3A_421, %sign3A_424 : i32
    %ne3A_426 = vector.broadcast %sign3A_425 : i32 to vector<2048x1xi32>
    %ne3A_427 = arith.cmpi ne, %sign3A_418, %ne3A_426 : vector<2048x1xi32>
    %rem3A_428 = vector.broadcast %jit3A_407 : i32 to vector<2048x1xi32>
    %rem3A_429 = arith.remsi %iota3A_85, %rem3A_428 : vector<2048x1xi32>
    %ne3A_430 = arith.constant 0 : i32
    %ne3A_431 = vector.broadcast %ne3A_430 : i32 to vector<2048x1xi32>
    %ne3A_432 = arith.cmpi ne, %rem3A_429, %ne3A_431 : vector<2048x1xi32>
    %and3A_433 = arith.andi %ne3A_427, %ne3A_432 : vector<2048x1xi1>
    %sub3A_434 = arith.constant 1 : i32
    %sub3A_435 = vector.broadcast %sub3A_434 : i32 to vector<2048x1xi32>
    %sub3A_436 = arith.subi %div3A_409, %sub3A_435 : vector<2048x1xi32>
    %select_n3A_437 = arith.select %and3A_433, %sub3A_436, %div3A_409 : vector<2048x1xi1>, vector<2048x1xi32>
    %convert_element_type3A_438 = arith.sitofp %select_n3A_437 : vector<2048x1xi32> to vector<2048x1xf32>
    %jit3A_439 = arith.constant 16 : i32
    %eq3A_440 = arith.constant 0 : i32
    %eq3A_441 = arith.cmpi eq, %jit3A_439, %eq3A_440 : i32
    %jit3A_442 = arith.constant 1 : i32
    %select_n3A_443 = arith.select %eq3A_441, %jit3A_442, %jit3A_439 : i32
    %rem3A_444 = vector.broadcast %select_n3A_443 : i32 to vector<2048x1xi32>
    %rem3A_445 = arith.remsi %iota3A_85, %rem3A_444 : vector<2048x1xi32>
    %ne3A_446 = arith.constant 0 : i32
    %ne3A_447 = vector.broadcast %ne3A_446 : i32 to vector<2048x1xi32>
    %ne3A_448 = arith.cmpi ne, %rem3A_445, %ne3A_447 : vector<2048x1xi32>
    %lt3A_449 = arith.constant 0 : i32
    %lt3A_450 = vector.broadcast %lt3A_449 : i32 to vector<2048x1xi32>
    %lt3A_451 = arith.cmpi slt, %rem3A_445, %lt3A_450 : vector<2048x1xi32>
    %lt3A_452 = arith.constant 0 : i32
    %lt3A_453 = arith.cmpi slt, %select_n3A_443, %lt3A_452 : i32
    %ne3A_454 = vector.broadcast %lt3A_453 : i1 to vector<2048x1xi1>
    %ne3A_455 = vector.broadcast %ne3A_454 : vector<2048x1xi1> to vector<2048x1xi1>
    %ne3A_456 = arith.xori %lt3A_451, %ne3A_455 : vector<2048x1xi1>
    %and3A_457 = arith.andi %ne3A_456, %ne3A_448 : vector<2048x1xi1>
    %add3A_458 = vector.broadcast %select_n3A_443 : i32 to vector<2048x1xi32>
    %add3A_459 = arith.addi %rem3A_445, %add3A_458 : vector<2048x1xi32>
    %select_n3A_460 = arith.select %and3A_457, %add3A_459, %rem3A_445 : vector<2048x1xi1>, vector<2048x1xi32>
    %convert_element_type3A_461 = arith.sitofp %select_n3A_460 : vector<2048x1xi32> to vector<2048x1xf32>
    %eq3A_462 = arith.constant 0 : i32
    %eq3A_463 = vector.broadcast %eq3A_462 : i32 to vector<2048x128xi32>
    %eq3A_464 = arith.cmpi eq, %iota3A_295, %eq3A_463 : vector<2048x128xi32>
    %convert_element_type3A_465 = arith.extui %eq3A_464 : vector<2048x128xi1> to vector<2048x128xi32>
    %convert_element_type3A_466 = arith.sitofp %convert_element_type3A_465 : vector<2048x128xi32> to vector<2048x128xf32>
    %eq3A_467 = arith.constant 1 : i32
    %eq3A_468 = vector.broadcast %eq3A_467 : i32 to vector<2048x128xi32>
    %eq3A_469 = arith.cmpi eq, %iota3A_295, %eq3A_468 : vector<2048x128xi32>
    %convert_element_type3A_470 = arith.extui %eq3A_469 : vector<2048x128xi1> to vector<2048x128xi32>
    %convert_element_type3A_471 = arith.sitofp %convert_element_type3A_470 : vector<2048x128xi32> to vector<2048x128xf32>
    %eq3A_472 = arith.constant 2 : i32
    %eq3A_473 = vector.broadcast %eq3A_472 : i32 to vector<2048x128xi32>
    %eq3A_474 = arith.cmpi eq, %iota3A_295, %eq3A_473 : vector<2048x128xi32>
    %convert_element_type3A_475 = arith.extui %eq3A_474 : vector<2048x128xi1> to vector<2048x128xi32>
    %convert_element_type3A_476 = arith.sitofp %convert_element_type3A_475 : vector<2048x128xi32> to vector<2048x128xf32>
    %eq3A_477 = arith.constant 3 : i32
    %eq3A_478 = vector.broadcast %eq3A_477 : i32 to vector<2048x128xi32>
    %eq3A_479 = arith.cmpi eq, %iota3A_295, %eq3A_478 : vector<2048x128xi32>
    %convert_element_type3A_480 = arith.extui %eq3A_479 : vector<2048x128xi1> to vector<2048x128xi32>
    %convert_element_type3A_481 = arith.sitofp %convert_element_type3A_480 : vector<2048x128xi32> to vector<2048x128xf32>
    %mul3A_482 = vector.broadcast %convert_element_type3A_438 : vector<2048x1xf32> to vector<2048x128xf32>
    %mul3A_483 = arith.mulf %convert_element_type3A_466, %mul3A_482 : vector<2048x128xf32>
    %mul3A_484 = vector.broadcast %convert_element_type3A_461 : vector<2048x1xf32> to vector<2048x128xf32>
    %mul3A_485 = arith.mulf %convert_element_type3A_471, %mul3A_484 : vector<2048x128xf32>
    %add3A_486 = arith.addf %mul3A_483, %mul3A_485 : vector<2048x128xf32>
    %mul3A_487 = vector.broadcast %floor3A : vector<2048x1xf32> to vector<2048x128xf32>
    %mul3A_488 = arith.mulf %convert_element_type3A_476, %mul3A_487 : vector<2048x128xf32>
    %add3A_489 = arith.addf %add3A_486, %mul3A_488 : vector<2048x128xf32>
    %add3A_490 = arith.addf %add3A_489, %convert_element_type3A_481 : vector<2048x128xf32>
    %convert_element_type3A_491 = arith.truncf %add3A_490 : vector<2048x128xf32> to vector<2048x128xbf16>
    %dot_general3A_492 = arith.constant dense<0.000000e+00> : vector<24x128xf32>
    %dot_general3A_493 = tpu.matmul %mul3A_406, %convert_element_type3A_491, %dot_general3A_492 {dimension_numbers = #tpu.dot_dimension_numbers<[0], [0], [1], [1], [0, 1, 1, 1], [], []>, transpose_lhs_hint = false} : vector<2048x24xbf16>, vector<2048x128xbf16>, vector<24x128xf32> -> vector<24x128xf32>
    %dot_general3A_494 = arith.constant dense<0.000000e+00> : vector<24x128xf32>
    %dot_general3A_495 = tpu.matmul %convert_element_type3A_403, %convert_element_type3A_491, %dot_general3A_494 {dimension_numbers = #tpu.dot_dimension_numbers<[0], [0], [1], [1], [0, 1, 1, 1], [], []>, transpose_lhs_hint = false} : vector<2048x24xbf16>, vector<2048x128xbf16>, vector<24x128xf32> -> vector<24x128xf32>
    %slice3A_496 = vector.extract_strided_slice %dot_general3A_493 {offsets = [0, 0], sizes = [24, 1], strides = [1, 1]} : vector<24x128xf32> to vector<24x1xf32>
    %mul3A_497 = arith.constant 1.600000e+01 : f32
    %mul3A_498 = vector.broadcast %mul3A_497 : f32 to vector<24x1xf32>
    %mul3A_499 = arith.mulf %mul3A_498, %slice3A_496 : vector<24x1xf32>
    %slice3A_500 = vector.extract_strided_slice %dot_general3A_493 {offsets = [0, 1], sizes = [24, 1], strides = [1, 1]} : vector<24x128xf32> to vector<24x1xf32>
    %add3A_501 = arith.addf %mul3A_499, %slice3A_500 : vector<24x1xf32>
    %slice3A_502 = vector.extract_strided_slice %dot_general3A_493 {offsets = [0, 2], sizes = [24, 1], strides = [1, 1]} : vector<24x128xf32> to vector<24x1xf32>
    %slice3A_503 = vector.extract_strided_slice %dot_general3A_495 {offsets = [0, 3], sizes = [24, 1], strides = [1, 1]} : vector<24x128xf32> to vector<24x1xf32>
    %mul3A_504 = arith.constant 3.906250e-03 : f32
    %mul3A_505 = vector.broadcast %mul3A_504 : f32 to vector<24x1xf32>
    %mul3A_506 = arith.mulf %add3A_501, %mul3A_505 : vector<24x1xf32>
    %floor3A_507 = math.floor %mul3A_506 : vector<24x1xf32>
    %eq3A_508 = arith.constant 0.000000e+00 : f32
    %eq3A_509 = vector.broadcast %eq3A_508 : f32 to vector<24x1xf32>
    %eq3A_510 = arith.cmpf oeq, %slice3A_503, %eq3A_509 : vector<24x1xf32>
    %convert_element_type3A_511 = arith.extui %eq3A_510 : vector<24x1xi1> to vector<24x1xi32>
    %convert_element_type3A_512 = arith.sitofp %convert_element_type3A_511 : vector<24x1xi32> to vector<24x1xf32>
    %mul3A_513 = arith.constant 7.000000e+00 : f32
    %mul3A_514 = vector.broadcast %mul3A_513 : f32 to vector<24x1xf32>
    %mul3A_515 = arith.mulf %convert_element_type3A_512, %mul3A_514 : vector<24x1xf32>
    %sub3A_516 = arith.constant 1.000000e+00 : f32
    %sub3A_517 = vector.broadcast %sub3A_516 : f32 to vector<24x1xf32>
    %sub3A_518 = arith.subf %sub3A_517, %convert_element_type3A_512 : vector<24x1xf32>
    %mul3A_519 = arith.mulf %sub3A_518, %floor3A_507 : vector<24x1xf32>
    %add3A_520 = arith.addf %mul3A_515, %mul3A_519 : vector<24x1xf32>
    %sub3A_521 = arith.constant 1.000000e+00 : f32
    %sub3A_522 = vector.broadcast %sub3A_521 : f32 to vector<24x1xf32>
    %sub3A_523 = arith.subf %sub3A_522, %convert_element_type3A_512 : vector<24x1xf32>
    %mul3A_524 = arith.mulf %sub3A_523, %slice3A_502 : vector<24x1xf32>
    %mul3A_525 = arith.constant 1.000000e+03 : f32
    %mul3A_526 = vector.broadcast %mul3A_525 : f32 to vector<24x1xf32>
    %mul3A_527 = arith.mulf %convert_element_type3A_512, %mul3A_526 : vector<24x1xf32>
    %sub3A_528 = arith.constant 1.000000e+00 : f32
    %sub3A_529 = vector.broadcast %sub3A_528 : f32 to vector<24x1xf32>
    %sub3A_530 = arith.subf %sub3A_529, %convert_element_type3A_512 : vector<24x1xf32>
    %mul3A_531 = arith.mulf %sub3A_530, %slice3A_502 : vector<24x1xf32>
    %add3A_532 = arith.addf %mul3A_527, %mul3A_531 : vector<24x1xf32>
    %iota3A_533 = tpu.iota {dimensions = array<i32: 1>} : vector<24x128xi32>
    %eq3A_534 = arith.constant 0 : i32
    %eq3A_535 = vector.broadcast %eq3A_534 : i32 to vector<24x128xi32>
    %eq3A_536 = arith.cmpi eq, %iota3A_533, %eq3A_535 : vector<24x128xi32>
    %convert_element_type3A_537 = arith.extui %eq3A_536 : vector<24x128xi1> to vector<24x128xi32>
    %convert_element_type3A_538 = arith.sitofp %convert_element_type3A_537 : vector<24x128xi32> to vector<24x128xf32>
    %eq3A_539 = arith.constant 1 : i32
    %eq3A_540 = vector.broadcast %eq3A_539 : i32 to vector<24x128xi32>
    %eq3A_541 = arith.cmpi eq, %iota3A_533, %eq3A_540 : vector<24x128xi32>
    %convert_element_type3A_542 = arith.extui %eq3A_541 : vector<24x128xi1> to vector<24x128xi32>
    %convert_element_type3A_543 = arith.sitofp %convert_element_type3A_542 : vector<24x128xi32> to vector<24x128xf32>
    %eq3A_544 = arith.constant 2 : i32
    %eq3A_545 = vector.broadcast %eq3A_544 : i32 to vector<24x128xi32>
    %eq3A_546 = arith.cmpi eq, %iota3A_533, %eq3A_545 : vector<24x128xi32>
    %convert_element_type3A_547 = arith.extui %eq3A_546 : vector<24x128xi1> to vector<24x128xi32>
    %convert_element_type3A_548 = arith.sitofp %convert_element_type3A_547 : vector<24x128xi32> to vector<24x128xf32>
    %mul3A_549 = vector.broadcast %mul3A_524 : vector<24x1xf32> to vector<24x128xf32>
    %mul3A_550 = arith.mulf %convert_element_type3A_538, %mul3A_549 : vector<24x128xf32>
    %mul3A_551 = vector.broadcast %add3A_532 : vector<24x1xf32> to vector<24x128xf32>
    %mul3A_552 = arith.mulf %convert_element_type3A_543, %mul3A_551 : vector<24x128xf32>
    %add3A_553 = arith.addf %mul3A_550, %mul3A_552 : vector<24x128xf32>
    %mul3A_554 = vector.broadcast %add3A_520 : vector<24x1xf32> to vector<24x128xf32>
    %mul3A_555 = arith.mulf %convert_element_type3A_548, %mul3A_554 : vector<24x128xf32>
    %add3A_556 = arith.addf %add3A_553, %mul3A_555 : vector<24x128xf32>
    %convert_element_type3A_557 = arith.fptosi %add3A_556 : vector<24x128xf32> to vector<24x128xi32>
    %swap3A_558 = arith.constant 0 : index
    %swap3A_559 = arith.constant 0 : index
    %swap3A_560 = vector.load %arg8[%swap3A_558, %swap3A_559] : memref<24x128xi32, #tpu.memory_space<vmem>>, vector<24x128xi32>
    tpu.vector_store %arg8[%swap3A_558, %swap3A_559], %convert_element_type3A_557 {strides = array<i32>} : memref<24x128xi32, #tpu.memory_space<vmem>>, vector<24x128xi32>,
    return
  }
}

module attributes {stable_mosaic.version = 14 : i64} {
  func.func @_group_kernel(%arg0: i32, %arg1: memref<24xi32, #tpu.memory_space<smem>>, %arg2: memref<24xi32, #tpu.memory_space<smem>>, %arg3: memref<24xi32, #tpu.memory_space<smem>>, %arg4: memref<256x768xf32, #tpu.memory_space<vmem>>, %arg5: memref<8x768x128xf32, #tpu.memory_space<vmem>>, %arg6: memref<1x8x128xf32, #tpu.memory_space<vmem>>, %arg7: memref<256x1xi32, #tpu.memory_space<vmem>>, %arg8: memref<256x1xi32, #tpu.memory_space<vmem>>, %arg9: memref<1x1xf32, #tpu.memory_space<vmem>>, %arg10: memref<256x128xf32, #tpu.memory_space<vmem>>) attributes {dimension_semantics = [#tpu.dimension_semantics<arbitrary>], iteration_bounds = array<i64: 24>, scalar_prefetch = 3 : i64, scratch_operands = 1 : i64, tpu.core_type = #tpu.core_type<tc>, window_params = [{transform_indices = @transform_0, window_bounds = array<i64: 256, 768>}, {transform_indices = @transform_1, window_bounds = array<i64: 8, 768, 128>}, {transform_indices = @transform_2, window_bounds = array<i64: 1, 8, 128>}, {transform_indices = @transform_3, window_bounds = array<i64: 256, 1>}, {transform_indices = @transform_4, window_bounds = array<i64: 256, 1>}, {pipeline_mode = #tpu.pipeline_mode<synchronous>, transform_indices = @transform_5, window_bounds = array<i64: 1, 1>}]} {
    %get3A = arith.index_cast %arg0 : i32 to index
    %get3A_0 = memref.load %arg2[%get3A] : memref<24xi32, #tpu.memory_space<smem>>
    %get3A_1 = arith.index_cast %arg0 : i32 to index
    %get3A_2 = memref.load %arg3[%get3A_1] : memref<24xi32, #tpu.memory_space<smem>>
    %get3A_3 = arith.constant 0 : index
    %get3A_4 = arith.constant 0 : index
    %get3A_5 = vector.load %arg7[%get3A_3, %get3A_4] : memref<256x1xi32, #tpu.memory_space<vmem>>, vector<256x1xi32>
    %get3A_6 = arith.constant 0 : index
    %get3A_7 = arith.constant 0 : index
    %get3A_8 = vector.load %arg4[%get3A_6, %get3A_7] : memref<256x768xf32, #tpu.memory_space<vmem>>, vector<256x768xf32>
    %get3A_9 = arith.constant 0 : index
    %get3A_10 = arith.constant 0 : index
    %get3A_11 = arith.constant 0 : index
    %get3A_12 = vector.load %arg6[%get3A_9, %get3A_10, %get3A_11] : memref<1x8x128xf32, #tpu.memory_space<vmem>>, vector<1x8x128xf32>
    %get3A_13 = vector.shape_cast %get3A_12 : vector<1x8x128xf32> to vector<8x128xf32>
    %broadcast_in_dim3A = arith.constant 0.000000e+00 : f32
    %broadcast_in_dim3A_14 = vector.broadcast %broadcast_in_dim3A : f32 to vector<256x128xf32>
    %convert_element_type3A = arith.truncf %get3A_8 : vector<256x768xf32> to vector<256x768xbf16>
    %get3A_15 = arith.constant 0 : index
    %get3A_16 = arith.constant 0 : index
    %get3A_17 = arith.constant 0 : index
    %get3A_18 = vector.load %arg5[%get3A_15, %get3A_16, %get3A_17] : memref<8x768x128xf32, #tpu.memory_space<vmem>>, vector<1x768x128xf32>
    %get3A_19 = vector.shape_cast %get3A_18 : vector<1x768x128xf32> to vector<768x128xf32>
    %convert_element_type3A_20 = arith.truncf %get3A_19 : vector<768x128xf32> to vector<768x128xbf16>
    %dot_general3A = arith.constant dense<0.000000e+00> : vector<256x128xf32>
    %dot_general3A_21 = tpu.matmul %convert_element_type3A, %convert_element_type3A_20, %dot_general3A {dimension_numbers = #tpu.dot_dimension_numbers<[1], [0], [0], [1], [0, 0, 1, 1], [], []>, transpose_lhs_hint = false} : vector<256x768xbf16>, vector<768x128xbf16>, vector<256x128xf32> -> vector<256x128xf32>
    %slice3A = vector.extract_strided_slice %get3A_13 {offsets = [0, 0], sizes = [1, 128], strides = [1, 1]} : vector<8x128xf32> to vector<1x128xf32>
    %add3A = vector.broadcast %slice3A : vector<1x128xf32> to vector<256x128xf32>
    %add3A_22 = arith.addf %dot_general3A_21, %add3A : vector<256x128xf32>
    %mul3A = arith.constant 8 : i32
    %mul3A_23 = arith.muli %get3A_0, %mul3A : i32
    %add3A_24 = arith.constant 0 : i32
    %add3A_25 = arith.addi %mul3A_23, %add3A_24 : i32
    %eq3A = vector.broadcast %add3A_25 : i32 to vector<256x1xi32>
    %eq3A_26 = arith.cmpi eq, %get3A_5, %eq3A : vector<256x1xi32>
    %jit3A = arith.constant 0.000000e+00 : f32
    %broadcast_in_dim3A_27 = vector.shape_cast %eq3A_26 : vector<256x1xi1> to vector<256x1xi1>
    %broadcast_in_dim3A_28 = vector.broadcast %broadcast_in_dim3A_27 : vector<256x1xi1> to vector<256x128xi1>
    %broadcast_in_dim3A_29 = vector.broadcast %jit3A : f32 to vector<256x128xf32>
    %select_n3A = arith.select %broadcast_in_dim3A_28, %add3A_22, %broadcast_in_dim3A_29 : vector<256x128xi1>, vector<256x128xf32>
    %add3A_30 = arith.addf %broadcast_in_dim3A_14, %select_n3A : vector<256x128xf32>
    %get3A_31 = arith.constant 1 : index
    %get3A_32 = arith.constant 0 : index
    %get3A_33 = arith.constant 0 : index
    %get3A_34 = vector.load %arg5[%get3A_31, %get3A_32, %get3A_33] : memref<8x768x128xf32, #tpu.memory_space<vmem>>, vector<1x768x128xf32>
    %get3A_35 = vector.shape_cast %get3A_34 : vector<1x768x128xf32> to vector<768x128xf32>
    %convert_element_type3A_36 = arith.truncf %get3A_35 : vector<768x128xf32> to vector<768x128xbf16>
    %dot_general3A_37 = arith.constant dense<0.000000e+00> : vector<256x128xf32>
    %dot_general3A_38 = tpu.matmul %convert_element_type3A, %convert_element_type3A_36, %dot_general3A_37 {dimension_numbers = #tpu.dot_dimension_numbers<[1], [0], [0], [1], [0, 0, 1, 1], [], []>, transpose_lhs_hint = false} : vector<256x768xbf16>, vector<768x128xbf16>, vector<256x128xf32> -> vector<256x128xf32>
    %slice3A_39 = vector.extract_strided_slice %get3A_13 {offsets = [1, 0], sizes = [1, 128], strides = [1, 1]} : vector<8x128xf32> to vector<1x128xf32>
    %add3A_40 = vector.broadcast %slice3A_39 : vector<1x128xf32> to vector<256x128xf32>
    %add3A_41 = arith.addf %dot_general3A_38, %add3A_40 : vector<256x128xf32>
    %mul3A_42 = arith.constant 8 : i32
    %mul3A_43 = arith.muli %get3A_0, %mul3A_42 : i32
    %add3A_44 = arith.constant 1 : i32
    %add3A_45 = arith.addi %mul3A_43, %add3A_44 : i32
    %eq3A_46 = vector.broadcast %add3A_45 : i32 to vector<256x1xi32>
    %eq3A_47 = arith.cmpi eq, %get3A_5, %eq3A_46 : vector<256x1xi32>
    %jit3A_48 = arith.constant 0.000000e+00 : f32
    %broadcast_in_dim3A_49 = vector.shape_cast %eq3A_47 : vector<256x1xi1> to vector<256x1xi1>
    %broadcast_in_dim3A_50 = vector.broadcast %broadcast_in_dim3A_49 : vector<256x1xi1> to vector<256x128xi1>
    %broadcast_in_dim3A_51 = vector.broadcast %jit3A_48 : f32 to vector<256x128xf32>
    %select_n3A_52 = arith.select %broadcast_in_dim3A_50, %add3A_41, %broadcast_in_dim3A_51 : vector<256x128xi1>, vector<256x128xf32>
    %add3A_53 = arith.addf %add3A_30, %select_n3A_52 : vector<256x128xf32>
    %get3A_54 = arith.constant 2 : index
    %get3A_55 = arith.constant 0 : index
    %get3A_56 = arith.constant 0 : index
    %get3A_57 = vector.load %arg5[%get3A_54, %get3A_55, %get3A_56] : memref<8x768x128xf32, #tpu.memory_space<vmem>>, vector<1x768x128xf32>
    %get3A_58 = vector.shape_cast %get3A_57 : vector<1x768x128xf32> to vector<768x128xf32>
    %convert_element_type3A_59 = arith.truncf %get3A_58 : vector<768x128xf32> to vector<768x128xbf16>
    %dot_general3A_60 = arith.constant dense<0.000000e+00> : vector<256x128xf32>
    %dot_general3A_61 = tpu.matmul %convert_element_type3A, %convert_element_type3A_59, %dot_general3A_60 {dimension_numbers = #tpu.dot_dimension_numbers<[1], [0], [0], [1], [0, 0, 1, 1], [], []>, transpose_lhs_hint = false} : vector<256x768xbf16>, vector<768x128xbf16>, vector<256x128xf32> -> vector<256x128xf32>
    %slice3A_62 = vector.extract_strided_slice %get3A_13 {offsets = [2, 0], sizes = [1, 128], strides = [1, 1]} : vector<8x128xf32> to vector<1x128xf32>
    %add3A_63 = vector.broadcast %slice3A_62 : vector<1x128xf32> to vector<256x128xf32>
    %add3A_64 = arith.addf %dot_general3A_61, %add3A_63 : vector<256x128xf32>
    %mul3A_65 = arith.constant 8 : i32
    %mul3A_66 = arith.muli %get3A_0, %mul3A_65 : i32
    %add3A_67 = arith.constant 2 : i32
    %add3A_68 = arith.addi %mul3A_66, %add3A_67 : i32
    %eq3A_69 = vector.broadcast %add3A_68 : i32 to vector<256x1xi32>
    %eq3A_70 = arith.cmpi eq, %get3A_5, %eq3A_69 : vector<256x1xi32>
    %jit3A_71 = arith.constant 0.000000e+00 : f32
    %broadcast_in_dim3A_72 = vector.shape_cast %eq3A_70 : vector<256x1xi1> to vector<256x1xi1>
    %broadcast_in_dim3A_73 = vector.broadcast %broadcast_in_dim3A_72 : vector<256x1xi1> to vector<256x128xi1>
    %broadcast_in_dim3A_74 = vector.broadcast %jit3A_71 : f32 to vector<256x128xf32>
    %select_n3A_75 = arith.select %broadcast_in_dim3A_73, %add3A_64, %broadcast_in_dim3A_74 : vector<256x128xi1>, vector<256x128xf32>
    %add3A_76 = arith.addf %add3A_53, %select_n3A_75 : vector<256x128xf32>
    %get3A_77 = arith.constant 3 : index
    %get3A_78 = arith.constant 0 : index
    %get3A_79 = arith.constant 0 : index
    %get3A_80 = vector.load %arg5[%get3A_77, %get3A_78, %get3A_79] : memref<8x768x128xf32, #tpu.memory_space<vmem>>, vector<1x768x128xf32>
    %get3A_81 = vector.shape_cast %get3A_80 : vector<1x768x128xf32> to vector<768x128xf32>
    %convert_element_type3A_82 = arith.truncf %get3A_81 : vector<768x128xf32> to vector<768x128xbf16>
    %dot_general3A_83 = arith.constant dense<0.000000e+00> : vector<256x128xf32>
    %dot_general3A_84 = tpu.matmul %convert_element_type3A, %convert_element_type3A_82, %dot_general3A_83 {dimension_numbers = #tpu.dot_dimension_numbers<[1], [0], [0], [1], [0, 0, 1, 1], [], []>, transpose_lhs_hint = false} : vector<256x768xbf16>, vector<768x128xbf16>, vector<256x128xf32> -> vector<256x128xf32>
    %slice3A_85 = vector.extract_strided_slice %get3A_13 {offsets = [3, 0], sizes = [1, 128], strides = [1, 1]} : vector<8x128xf32> to vector<1x128xf32>
    %add3A_86 = vector.broadcast %slice3A_85 : vector<1x128xf32> to vector<256x128xf32>
    %add3A_87 = arith.addf %dot_general3A_84, %add3A_86 : vector<256x128xf32>
    %mul3A_88 = arith.constant 8 : i32
    %mul3A_89 = arith.muli %get3A_0, %mul3A_88 : i32
    %add3A_90 = arith.constant 3 : i32
    %add3A_91 = arith.addi %mul3A_89, %add3A_90 : i32
    %eq3A_92 = vector.broadcast %add3A_91 : i32 to vector<256x1xi32>
    %eq3A_93 = arith.cmpi eq, %get3A_5, %eq3A_92 : vector<256x1xi32>
    %jit3A_94 = arith.constant 0.000000e+00 : f32
    %broadcast_in_dim3A_95 = vector.shape_cast %eq3A_93 : vector<256x1xi1> to vector<256x1xi1>
    %broadcast_in_dim3A_96 = vector.broadcast %broadcast_in_dim3A_95 : vector<256x1xi1> to vector<256x128xi1>
    %broadcast_in_dim3A_97 = vector.broadcast %jit3A_94 : f32 to vector<256x128xf32>
    %select_n3A_98 = arith.select %broadcast_in_dim3A_96, %add3A_87, %broadcast_in_dim3A_97 : vector<256x128xi1>, vector<256x128xf32>
    %add3A_99 = arith.addf %add3A_76, %select_n3A_98 : vector<256x128xf32>
    %get3A_100 = arith.constant 4 : index
    %get3A_101 = arith.constant 0 : index
    %get3A_102 = arith.constant 0 : index
    %get3A_103 = vector.load %arg5[%get3A_100, %get3A_101, %get3A_102] : memref<8x768x128xf32, #tpu.memory_space<vmem>>, vector<1x768x128xf32>
    %get3A_104 = vector.shape_cast %get3A_103 : vector<1x768x128xf32> to vector<768x128xf32>
    %convert_element_type3A_105 = arith.truncf %get3A_104 : vector<768x128xf32> to vector<768x128xbf16>
    %dot_general3A_106 = arith.constant dense<0.000000e+00> : vector<256x128xf32>
    %dot_general3A_107 = tpu.matmul %convert_element_type3A, %convert_element_type3A_105, %dot_general3A_106 {dimension_numbers = #tpu.dot_dimension_numbers<[1], [0], [0], [1], [0, 0, 1, 1], [], []>, transpose_lhs_hint = false} : vector<256x768xbf16>, vector<768x128xbf16>, vector<256x128xf32> -> vector<256x128xf32>
    %slice3A_108 = vector.extract_strided_slice %get3A_13 {offsets = [4, 0], sizes = [1, 128], strides = [1, 1]} : vector<8x128xf32> to vector<1x128xf32>
    %add3A_109 = vector.broadcast %slice3A_108 : vector<1x128xf32> to vector<256x128xf32>
    %add3A_110 = arith.addf %dot_general3A_107, %add3A_109 : vector<256x128xf32>
    %mul3A_111 = arith.constant 8 : i32
    %mul3A_112 = arith.muli %get3A_0, %mul3A_111 : i32
    %add3A_113 = arith.constant 4 : i32
    %add3A_114 = arith.addi %mul3A_112, %add3A_113 : i32
    %eq3A_115 = vector.broadcast %add3A_114 : i32 to vector<256x1xi32>
    %eq3A_116 = arith.cmpi eq, %get3A_5, %eq3A_115 : vector<256x1xi32>
    %jit3A_117 = arith.constant 0.000000e+00 : f32
    %broadcast_in_dim3A_118 = vector.shape_cast %eq3A_116 : vector<256x1xi1> to vector<256x1xi1>
    %broadcast_in_dim3A_119 = vector.broadcast %broadcast_in_dim3A_118 : vector<256x1xi1> to vector<256x128xi1>
    %broadcast_in_dim3A_120 = vector.broadcast %jit3A_117 : f32 to vector<256x128xf32>
    %select_n3A_121 = arith.select %broadcast_in_dim3A_119, %add3A_110, %broadcast_in_dim3A_120 : vector<256x128xi1>, vector<256x128xf32>
    %add3A_122 = arith.addf %add3A_99, %select_n3A_121 : vector<256x128xf32>
    %get3A_123 = arith.constant 5 : index
    %get3A_124 = arith.constant 0 : index
    %get3A_125 = arith.constant 0 : index
    %get3A_126 = vector.load %arg5[%get3A_123, %get3A_124, %get3A_125] : memref<8x768x128xf32, #tpu.memory_space<vmem>>, vector<1x768x128xf32>
    %get3A_127 = vector.shape_cast %get3A_126 : vector<1x768x128xf32> to vector<768x128xf32>
    %convert_element_type3A_128 = arith.truncf %get3A_127 : vector<768x128xf32> to vector<768x128xbf16>
    %dot_general3A_129 = arith.constant dense<0.000000e+00> : vector<256x128xf32>
    %dot_general3A_130 = tpu.matmul %convert_element_type3A, %convert_element_type3A_128, %dot_general3A_129 {dimension_numbers = #tpu.dot_dimension_numbers<[1], [0], [0], [1], [0, 0, 1, 1], [], []>, transpose_lhs_hint = false} : vector<256x768xbf16>, vector<768x128xbf16>, vector<256x128xf32> -> vector<256x128xf32>
    %slice3A_131 = vector.extract_strided_slice %get3A_13 {offsets = [5, 0], sizes = [1, 128], strides = [1, 1]} : vector<8x128xf32> to vector<1x128xf32>
    %add3A_132 = vector.broadcast %slice3A_131 : vector<1x128xf32> to vector<256x128xf32>
    %add3A_133 = arith.addf %dot_general3A_130, %add3A_132 : vector<256x128xf32>
    %mul3A_134 = arith.constant 8 : i32
    %mul3A_135 = arith.muli %get3A_0, %mul3A_134 : i32
    %add3A_136 = arith.constant 5 : i32
    %add3A_137 = arith.addi %mul3A_135, %add3A_136 : i32
    %eq3A_138 = vector.broadcast %add3A_137 : i32 to vector<256x1xi32>
    %eq3A_139 = arith.cmpi eq, %get3A_5, %eq3A_138 : vector<256x1xi32>
    %jit3A_140 = arith.constant 0.000000e+00 : f32
    %broadcast_in_dim3A_141 = vector.shape_cast %eq3A_139 : vector<256x1xi1> to vector<256x1xi1>
    %broadcast_in_dim3A_142 = vector.broadcast %broadcast_in_dim3A_141 : vector<256x1xi1> to vector<256x128xi1>
    %broadcast_in_dim3A_143 = vector.broadcast %jit3A_140 : f32 to vector<256x128xf32>
    %select_n3A_144 = arith.select %broadcast_in_dim3A_142, %add3A_133, %broadcast_in_dim3A_143 : vector<256x128xi1>, vector<256x128xf32>
    %add3A_145 = arith.addf %add3A_122, %select_n3A_144 : vector<256x128xf32>
    %get3A_146 = arith.constant 6 : index
    %get3A_147 = arith.constant 0 : index
    %get3A_148 = arith.constant 0 : index
    %get3A_149 = vector.load %arg5[%get3A_146, %get3A_147, %get3A_148] : memref<8x768x128xf32, #tpu.memory_space<vmem>>, vector<1x768x128xf32>
    %get3A_150 = vector.shape_cast %get3A_149 : vector<1x768x128xf32> to vector<768x128xf32>
    %convert_element_type3A_151 = arith.truncf %get3A_150 : vector<768x128xf32> to vector<768x128xbf16>
    %dot_general3A_152 = arith.constant dense<0.000000e+00> : vector<256x128xf32>
    %dot_general3A_153 = tpu.matmul %convert_element_type3A, %convert_element_type3A_151, %dot_general3A_152 {dimension_numbers = #tpu.dot_dimension_numbers<[1], [0], [0], [1], [0, 0, 1, 1], [], []>, transpose_lhs_hint = false} : vector<256x768xbf16>, vector<768x128xbf16>, vector<256x128xf32> -> vector<256x128xf32>
    %slice3A_154 = vector.extract_strided_slice %get3A_13 {offsets = [6, 0], sizes = [1, 128], strides = [1, 1]} : vector<8x128xf32> to vector<1x128xf32>
    %add3A_155 = vector.broadcast %slice3A_154 : vector<1x128xf32> to vector<256x128xf32>
    %add3A_156 = arith.addf %dot_general3A_153, %add3A_155 : vector<256x128xf32>
    %mul3A_157 = arith.constant 8 : i32
    %mul3A_158 = arith.muli %get3A_0, %mul3A_157 : i32
    %add3A_159 = arith.constant 6 : i32
    %add3A_160 = arith.addi %mul3A_158, %add3A_159 : i32
    %eq3A_161 = vector.broadcast %add3A_160 : i32 to vector<256x1xi32>
    %eq3A_162 = arith.cmpi eq, %get3A_5, %eq3A_161 : vector<256x1xi32>
    %jit3A_163 = arith.constant 0.000000e+00 : f32
    %broadcast_in_dim3A_164 = vector.shape_cast %eq3A_162 : vector<256x1xi1> to vector<256x1xi1>
    %broadcast_in_dim3A_165 = vector.broadcast %broadcast_in_dim3A_164 : vector<256x1xi1> to vector<256x128xi1>
    %broadcast_in_dim3A_166 = vector.broadcast %jit3A_163 : f32 to vector<256x128xf32>
    %select_n3A_167 = arith.select %broadcast_in_dim3A_165, %add3A_156, %broadcast_in_dim3A_166 : vector<256x128xi1>, vector<256x128xf32>
    %add3A_168 = arith.addf %add3A_145, %select_n3A_167 : vector<256x128xf32>
    %get3A_169 = arith.constant 7 : index
    %get3A_170 = arith.constant 0 : index
    %get3A_171 = arith.constant 0 : index
    %get3A_172 = vector.load %arg5[%get3A_169, %get3A_170, %get3A_171] : memref<8x768x128xf32, #tpu.memory_space<vmem>>, vector<1x768x128xf32>
    %get3A_173 = vector.shape_cast %get3A_172 : vector<1x768x128xf32> to vector<768x128xf32>
    %convert_element_type3A_174 = arith.truncf %get3A_173 : vector<768x128xf32> to vector<768x128xbf16>
    %dot_general3A_175 = arith.constant dense<0.000000e+00> : vector<256x128xf32>
    %dot_general3A_176 = tpu.matmul %convert_element_type3A, %convert_element_type3A_174, %dot_general3A_175 {dimension_numbers = #tpu.dot_dimension_numbers<[1], [0], [0], [1], [0, 0, 1, 1], [], []>, transpose_lhs_hint = false} : vector<256x768xbf16>, vector<768x128xbf16>, vector<256x128xf32> -> vector<256x128xf32>
    %slice3A_177 = vector.extract_strided_slice %get3A_13 {offsets = [7, 0], sizes = [1, 128], strides = [1, 1]} : vector<8x128xf32> to vector<1x128xf32>
    %add3A_178 = vector.broadcast %slice3A_177 : vector<1x128xf32> to vector<256x128xf32>
    %add3A_179 = arith.addf %dot_general3A_176, %add3A_178 : vector<256x128xf32>
    %mul3A_180 = arith.constant 8 : i32
    %mul3A_181 = arith.muli %get3A_0, %mul3A_180 : i32
    %add3A_182 = arith.constant 7 : i32
    %add3A_183 = arith.addi %mul3A_181, %add3A_182 : i32
    %eq3A_184 = vector.broadcast %add3A_183 : i32 to vector<256x1xi32>
    %eq3A_185 = arith.cmpi eq, %get3A_5, %eq3A_184 : vector<256x1xi32>
    %jit3A_186 = arith.constant 0.000000e+00 : f32
    %broadcast_in_dim3A_187 = vector.shape_cast %eq3A_185 : vector<256x1xi1> to vector<256x1xi1>
    %broadcast_in_dim3A_188 = vector.broadcast %broadcast_in_dim3A_187 : vector<256x1xi1> to vector<256x128xi1>
    %broadcast_in_dim3A_189 = vector.broadcast %jit3A_186 : f32 to vector<256x128xf32>
    %select_n3A_190 = arith.select %broadcast_in_dim3A_188, %add3A_179, %broadcast_in_dim3A_189 : vector<256x128xi1>, vector<256x128xf32>
    %add3A_191 = arith.addf %add3A_168, %select_n3A_190 : vector<256x128xf32>
    %sub3A = arith.constant 1 : i32
    %sub3A_192 = arith.subi %arg0, %sub3A : i32
    %max3A = arith.constant 0 : i32
    %max3A_193 = arith.maxsi %sub3A_192, %max3A : i32
    %get3A_194 = arith.index_cast %max3A_193 : i32 to index
    %get3A_195 = memref.load %arg3[%get3A_194] : memref<24xi32, #tpu.memory_space<smem>>
    %eq3A_196 = arith.constant 0 : i32
    %eq3A_197 = arith.cmpi eq, %arg0, %eq3A_196 : i32
    %ne3A = arith.cmpi ne, %get3A_2, %get3A_195 : i32
    %or3A = arith.ori %eq3A_197, %ne3A : i1
    %add3A_198 = arith.constant 1 : i32
    %add3A_199 = arith.addi %arg0, %add3A_198 : i32
    %min3A = arith.constant 23 : i32
    %min3A_200 = arith.minsi %add3A_199, %min3A : i32
    %get3A_201 = arith.index_cast %min3A_200 : i32 to index
    %get3A_202 = memref.load %arg3[%get3A_201] : memref<24xi32, #tpu.memory_space<smem>>
    %eq3A_203 = arith.constant 23 : i32
    %eq3A_204 = arith.cmpi eq, %arg0, %eq3A_203 : i32
    %ne3A_205 = arith.cmpi ne, %get3A_2, %get3A_202 : i32
    %or3A_206 = arith.ori %eq3A_204, %ne3A_205 : i1
    %convert_element_type3A_207 = arith.extui %or3A : i1 to i32
    %cond3A = arith.constant 0 : i32
    %cond3A_208 = arith.cmpi ne, %convert_element_type3A_207, %cond3A : i32
    scf.if %cond3A_208 {
      %swap3A = arith.constant 0 : index
      %swap3A_221 = arith.constant 0 : index
      %swap3A_222 = vector.load %arg10[%swap3A, %swap3A_221] : memref<256x128xf32, #tpu.memory_space<vmem>>, vector<256x128xf32>
      tpu.vector_store %arg10[%swap3A, %swap3A_221], %add3A_191 {strides = array<i32>} : memref<256x128xf32, #tpu.memory_space<vmem>>, vector<256x128xf32>,
    } else {
    }
    %not3A = arith.constant true
    %not3A_209 = arith.xori %or3A, %not3A : i1
    %convert_element_type3A_210 = arith.extui %not3A_209 : i1 to i32
    %cond3A_211 = arith.constant 0 : i32
    %cond3A_212 = arith.cmpi ne, %convert_element_type3A_210, %cond3A_211 : i32
    scf.if %cond3A_212 {
      %get3A_221 = arith.constant 0 : index
      %get3A_222 = arith.constant 0 : index
      %get3A_223 = vector.load %arg10[%get3A_221, %get3A_222] : memref<256x128xf32, #tpu.memory_space<vmem>>, vector<256x128xf32>
      %add3A_224 = arith.addf %get3A_223, %add3A_191 : vector<256x128xf32>
      %swap3A = arith.constant 0 : index
      %swap3A_225 = arith.constant 0 : index
      %swap3A_226 = vector.load %arg10[%swap3A, %swap3A_225] : memref<256x128xf32, #tpu.memory_space<vmem>>, vector<256x128xf32>
      tpu.vector_store %arg10[%swap3A, %swap3A_225], %add3A_224 {strides = array<i32>} : memref<256x128xf32, #tpu.memory_space<vmem>>, vector<256x128xf32>,
    } else {
    }
    %eq3A_213 = arith.constant 0 : i32
    %eq3A_214 = arith.cmpi eq, %arg0, %eq3A_213 : i32
    %convert_element_type3A_215 = arith.extui %eq3A_214 : i1 to i32
    %cond3A_216 = arith.constant 0 : i32
    %cond3A_217 = arith.cmpi ne, %convert_element_type3A_215, %cond3A_216 : i32
    scf.if %cond3A_217 {
      %broadcast_in_dim3A_221 = arith.constant 0.000000e+00 : f32
      %broadcast_in_dim3A_222 = vector.broadcast %broadcast_in_dim3A_221 : f32 to vector<1x1xf32>
      %swap3A = arith.constant 0 : index
      %swap3A_223 = arith.constant 0 : index
      %swap3A_224 = vector.load %arg9[%swap3A, %swap3A_223] : memref<1x1xf32, #tpu.memory_space<vmem>>, vector<1x1xf32>
      tpu.vector_store %arg9[%swap3A, %swap3A_223], %broadcast_in_dim3A_222 {strides = array<i32>} : memref<1x1xf32, #tpu.memory_space<vmem>>, vector<1x1xf32>,
    } else {
    }
    %convert_element_type3A_218 = arith.extui %or3A_206 : i1 to i32
    %cond3A_219 = arith.constant 0 : i32
    %cond3A_220 = arith.cmpi ne, %convert_element_type3A_218, %cond3A_219 : i32
    scf.if %cond3A_220 {
      %get3A_221 = arith.constant 0 : index
      %get3A_222 = arith.constant 0 : index
      %get3A_223 = vector.load %arg10[%get3A_221, %get3A_222] : memref<256x128xf32, #tpu.memory_space<vmem>>, vector<256x128xf32>
      %iota3A = tpu.iota {dimensions = array<i32: 1>} : vector<256x128xi32>
      %get3A_224 = arith.constant 0 : index
      %get3A_225 = arith.constant 0 : index
      %get3A_226 = vector.load %arg8[%get3A_224, %get3A_225] : memref<256x1xi32, #tpu.memory_space<vmem>>, vector<256x1xi32>
      %eq3A_227 = vector.broadcast %get3A_226 : vector<256x1xi32> to vector<256x128xi32>
      %eq3A_228 = arith.cmpi eq, %eq3A_227, %iota3A : vector<256x128xi32>
      %convert_element_type3A_229 = arith.extui %eq3A_228 : vector<256x128xi1> to vector<256x128xi32>
      %convert_element_type3A_230 = arith.sitofp %convert_element_type3A_229 : vector<256x128xi32> to vector<256x128xf32>
      %reduce_max3A = arith.constant dense<0xFF800000> : vector<256xf32>
      %reduce_max3A_231 = vector.multi_reduction <maximumf>, %get3A_223, %reduce_max3A [1] : vector<256x128xf32> to vector<256xf32>
      %broadcast_in_dim3A_232 = vector.shape_cast %reduce_max3A_231 : vector<256xf32> to vector<256x1xf32>
      %squeeze3A = vector.shape_cast %broadcast_in_dim3A_232 : vector<256x1xf32> to vector<256xf32>
      %sub3A_233 = vector.broadcast %broadcast_in_dim3A_232 : vector<256x1xf32> to vector<256x128xf32>
      %sub3A_234 = arith.subf %get3A_223, %sub3A_233 : vector<256x128xf32>
      %exp3A = math.exp %sub3A_234 : vector<256x128xf32>
      %reduce_sum3A = arith.constant dense<0.000000e+00> : vector<256xf32>
      %reduce_sum3A_235 = vector.multi_reduction <add>, %exp3A, %reduce_sum3A [1] : vector<256x128xf32> to vector<256xf32>
      %log3A = math.log %reduce_sum3A_235 : vector<256xf32>
      %add3A_236 = arith.addf %squeeze3A, %log3A : vector<256xf32>
      %mul3A_237 = arith.mulf %convert_element_type3A_230, %get3A_223 : vector<256x128xf32>
      %reduce_sum3A_238 = arith.constant dense<0.000000e+00> : vector<256xf32>
      %reduce_sum3A_239 = vector.multi_reduction <add>, %mul3A_237, %reduce_sum3A_238 [1] : vector<256x128xf32> to vector<256xf32>
      %get3A_240 = arith.constant 0 : index
      %get3A_241 = arith.constant 0 : index
      %get3A_242 = vector.load %arg9[%get3A_240, %get3A_241] : memref<1x1xf32, #tpu.memory_space<vmem>>, vector<1x1xf32>
      %sub3A_243 = arith.subf %add3A_236, %reduce_sum3A_239 : vector<256xf32>
      %reduce_sum3A_244 = vector.shape_cast %sub3A_243 : vector<256xf32> to vector<1x256xf32>
      %reduce_sum3A_245 = arith.constant dense<0.000000e+00> : vector<1xf32>
      %reduce_sum3A_246 = vector.multi_reduction <add>, %reduce_sum3A_244, %reduce_sum3A_245 [1] : vector<1x256xf32> to vector<1xf32>
      %reduce_sum3A_247 = vector.shape_cast %reduce_sum3A_246 : vector<1xf32> to vector<1x1xf32>
      %reduce_sum3A_248 = vector.extract %reduce_sum3A_247[0, 0] : f32 from vector<1x1xf32>
      %mul3A_249 = arith.constant 4.8828125E-4 : f32
      %mul3A_250 = arith.mulf %reduce_sum3A_248, %mul3A_249 : f32
      %reshape3A = vector.broadcast %mul3A_250 : f32 to vector<1x1xf32>
      %add3A_251 = arith.addf %get3A_242, %reshape3A : vector<1x1xf32>
      %swap3A = arith.constant 0 : index
      %swap3A_252 = arith.constant 0 : index
      %swap3A_253 = vector.load %arg9[%swap3A, %swap3A_252] : memref<1x1xf32, #tpu.memory_space<vmem>>, vector<1x1xf32>
      tpu.vector_store %arg9[%swap3A, %swap3A_252], %add3A_251 {strides = array<i32>} : memref<1x1xf32, #tpu.memory_space<vmem>>, vector<1x1xf32>,
    } else {
    }
    return
  }
  func.func @transform_0(%arg0: i32, %arg1: memref<24xi32, #tpu.memory_space<smem>>, %arg2: memref<24xi32, #tpu.memory_space<smem>>, %arg3: memref<24xi32, #tpu.memory_space<smem>>) -> (i32, i32) {
    %get3A = arith.index_cast %arg0 : i32 to index
    %get3A_0 = memref.load %arg3[%get3A] : memref<24xi32, #tpu.memory_space<smem>>
    %c0_i32 = arith.constant 0 : i32
    %c0_i32_1 = arith.constant 0 : i32
    return %get3A_0, %c0_i32 : i32, i32
  }
  func.func @transform_1(%arg0: i32, %arg1: memref<24xi32, #tpu.memory_space<smem>>, %arg2: memref<24xi32, #tpu.memory_space<smem>>, %arg3: memref<24xi32, #tpu.memory_space<smem>>) -> (i32, i32, i32) {
    %get3A = arith.index_cast %arg0 : i32 to index
    %get3A_0 = memref.load %arg1[%get3A] : memref<24xi32, #tpu.memory_space<smem>>
    %c0_i32 = arith.constant 0 : i32
    %c0_i32_1 = arith.constant 0 : i32
    %c0_i32_2 = arith.constant 0 : i32
    return %get3A_0, %c0_i32, %c0_i32_1 : i32, i32, i32
  }
  func.func @transform_2(%arg0: i32, %arg1: memref<24xi32, #tpu.memory_space<smem>>, %arg2: memref<24xi32, #tpu.memory_space<smem>>, %arg3: memref<24xi32, #tpu.memory_space<smem>>) -> (i32, i32, i32) {
    %get3A = arith.index_cast %arg0 : i32 to index
    %get3A_0 = memref.load %arg1[%get3A] : memref<24xi32, #tpu.memory_space<smem>>
    %c0_i32 = arith.constant 0 : i32
    %c0_i32_1 = arith.constant 0 : i32
    %c0_i32_2 = arith.constant 0 : i32
    return %get3A_0, %c0_i32, %c0_i32_1 : i32, i32, i32
  }
  func.func @transform_3(%arg0: i32, %arg1: memref<24xi32, #tpu.memory_space<smem>>, %arg2: memref<24xi32, #tpu.memory_space<smem>>, %arg3: memref<24xi32, #tpu.memory_space<smem>>) -> (i32, i32) {
    %get3A = arith.index_cast %arg0 : i32 to index
    %get3A_0 = memref.load %arg3[%get3A] : memref<24xi32, #tpu.memory_space<smem>>
    %c0_i32 = arith.constant 0 : i32
    %c0_i32_1 = arith.constant 0 : i32
    return %get3A_0, %c0_i32 : i32, i32
  }
  func.func @transform_4(%arg0: i32, %arg1: memref<24xi32, #tpu.memory_space<smem>>, %arg2: memref<24xi32, #tpu.memory_space<smem>>, %arg3: memref<24xi32, #tpu.memory_space<smem>>) -> (i32, i32) {
    %get3A = arith.index_cast %arg0 : i32 to index
    %get3A_0 = memref.load %arg3[%get3A] : memref<24xi32, #tpu.memory_space<smem>>
    %c0_i32 = arith.constant 0 : i32
    %c0_i32_1 = arith.constant 0 : i32
    return %get3A_0, %c0_i32 : i32, i32
  }
  func.func @transform_5(%arg0: i32, %arg1: memref<24xi32, #tpu.memory_space<smem>>, %arg2: memref<24xi32, #tpu.memory_space<smem>>, %arg3: memref<24xi32, #tpu.memory_space<smem>>) -> (i32, i32) {
    %c0_i32 = arith.constant 0 : i32
    %c0_i32_0 = arith.constant 0 : i32
    %c0_i32_1 = arith.constant 0 : i32
    return %c0_i32, %c0_i32_0 : i32, i32
  }
}

</mosaic_0001>

<sc_bundles>
// kernel: kernel.5.cloned.1.call-start
scs
__scs_entry_jumppad:
0x0: {  	(pc) =	sbr.rel $0x88, $3  }
0x1: {  	(tag) =	ssettag $0x0;
	lr =	simm.s32 $0x1  }
0x2: {  	[smem:$0x3F9B] =	sst lr;
	_ =	strace $0xD0000000  }
0x3: {  	_ = 	snop  }
0x4: {  	_ = 	snop  }
0x5: {  	_ = 	snop  }
0x6: {  	_ = 	snop  }
0x7: {  	_ = 	snop  }
__scs_overlays_trampoline_lowered:
0x8: {  	[smem:$0x3FAA] =	sst s0  }
0x9: {  	[smem:$0x3FAB] =	sst s1  }
0xa: {  	[smem:$0x3FAC] =	sst s2  }
0xb: {  	[smem:$0x3FAD] =	sst s3  }
0xc: {  	[smem:$0x3FAE] =	sst s4  }
0xd: {  	[smem:$0x3FAF] =	sst s5  }
0xe: {  	[smem:$0x3FB0] =	sst s6  }
0xf: {  	[smem:$0x3FB1] =	sst s7  }
0x10: {  	[smem:$0x3FB2] =	sst s8  }
0x11: {  	[smem:$0x3FB3] =	sst s9;
	s0 =	simm.s32 @!p0 $0x0  }
0x12: {  	s1 =	sld [smem:$0x3F99];
	s0 =	simm.s32 @p0 $0x1  }
0x13: {  	[smem:$0x3FB4] =	sst s0;
	s0 =	simm.s32 @!p1 $0x0  }
0x14: {  	s2 =	sld [smem:$0x3F98];
	s0 =	simm.s32 @p1 $0x1  }
0x15: {  	[smem:$0x3FB5] =	sst s0;
	s0 =	simm.s32 @!p2 $0x0  }
0x16: {  	s3 =	sld [smem:$0x3FDB];
	s0 =	simm.s32 @p2 $0x1  }
0x17: {  	s4 =	simm.s32 $0x1BF5;
	[smem:$0x3FB7] =	sst s0  }
0x18: {  	s0 =	sld [smem:$0x3F9A];
	_ =	swait.ge [sflag:s4], $0x0  }
0x19: {  	s7 =	sld [smem:$0x3F9B]  }
0x1a: {  	s8 =	sadd.s32 $0xFFFFE003, lr  }
0x1b: {  	s9 =	sadd.s32 $0xFFFFFEF7, lr;
	s5 =	simm.s32 $0xFFFFFFFF;
	p2 =	slt.u32 s8, $0xFFFFF086  }
0x1c: {  	p1 =	slt.u32 s9, $0xF7A;
	s5 =	simm.s32 @!p2 $0x0  }
0x1d: {  	s5 =	simm.s32 @p1 $0x1;
	p0 =	seq.s32 s7, s2  }
0x1e: {  	s7 =	smul.u32 @!p0 $0xF7A, s2;
	p2 =	seq.s32 @!p0 s5, $0x0  }
0x1f: {  	s9 =	smul.u32 $0xF7A, s1;
	s8 =	simm.s32 @!p0 $0x1BF5;
	p2 =	por !p2, p0  }
0x20: {  	[sflag:s8] =	ssyncset.s32 @!p0 $0xFFFFF086;
	s6 =	sadd.s32 @!p0 s3, s7;
	s7 =	simm.s32 @!p0 $0x108  }
0x21: {  	s3 =	sadd.s32 s3, s9;
	s6 =	sadd.s32 @!p0 $0x88, s6;
	s7 =	simm.s32 @p2 $0x1082  }
0x22: {  	[simem:s7], [sflag:s8] =	dma.local @!p0 [hbm:s6], $0xF7A  }
0x23: {  	s9 =	sor.u32 $0xD0000000, s2;
	s6 =	simm.s32 $0x108;
	_ =	swait.ge @!p0 [sflag:s8], $0x0  }
0x24: {  	s3 =	sadd.s32 $0x88, s3;
	s6 =	simm.s32 @!p1 $0x1082;
	[sflag:s4] =	ssyncset.s32 $0xFFFFF086  }
0x25: {  	[simem:s6], [sflag:s4] =	dma.local [hbm:s3], $0xF7A  }
0x26: {  	[smem:$0x3F9B] =	sst s1;
	(tag) =	ssettag s2;
	_ =	strace s9  }
0x27: {  	s1 =	sld [smem:$0x3FAB]  }
0x28: {  	s2 =	sld [smem:$0x3FAC]  }
0x29: {  	s4 =	sld [smem:$0x3FAE]  }
0x2a: {  	p0 =	seq.s32 s5, $0x0;
	s5 =	sld [smem:$0x3FAF]  }
0x2b: {  	s6 =	sld [smem:$0x3FB0]  }
0x2c: {  	s7 =	sld [smem:$0x3FB1]  }
0x2d: {  	s3 =	simm.s32 $0x108;
	s8 =	sld [smem:$0x3FB2]  }
0x2e: {  	s3 =	simm.s32 @!p0 $0x1082;
	s9 =	sld [smem:$0x3FB3]  }
0x2f: {  	lr =	sadd.s32 s0, s3;
	s0 =	sld [smem:$0x3FAA]  }
0x30: {  	s3 =	sld [smem:$0x3FAD]  }
0x31: {  	[smem:$0x3FB6] =	sst s10  }
0x32: {  	s10 =	sld [smem:$0x3FB4];
	_ =	sdelay $0x3  }
0x33: {  	p0 =	seq.s32 s10, $0x1;
	s10 =	sld [smem:$0x3FB6];
	_ =	sdelay $0x3  }
0x34: {  	[smem:$0x3FB6] =	sst s10  }
0x35: {  	s10 =	sld [smem:$0x3FB5];
	_ =	sdelay $0x3  }
0x36: {  	p1 =	seq.s32 s10, $0x1;
	s10 =	sld [smem:$0x3FB6];
	_ =	sdelay $0x3  }
0x37: {  	[smem:$0x3FB6] =	sst s10  }
0x38: {  	s10 =	sld [smem:$0x3FB7]  }
0x39: {  	_ = 	snop;
	(pc) =	sbr.ind lr, $3  }
0x3a: {  	_ = 	snop  }
0x3b: {  	_ = 	snop  }
0x3c: {  	p2 =	seq.s32 s10, $0x1;
	s10 =	sld [smem:$0x3FB6]  }
0x3d: {  	_ =	shalt  }
0x3e: {  	_ =	shalt  }
0x3f: {  	_ =	shalt  }
0x40: {  	_ =	shalt  }
0x41: {  	_ =	shalt  }
0x42: {  	_ =	shalt  }
0x43: {  	_ =	shalt  }
0x44: {  	_ =	shalt  }
0x45: {  	_ =	shalt  }
0x46: {  	_ =	shalt  }
0x47: {  	_ =	shalt  }
0x48: {  	_ =	shalt  }
0x49: {  	_ =	shalt  }
0x4a: {  	_ =	shalt  }
0x4b: {  	_ =	shalt  }
0x4c: {  	_ =	shalt  }
0x4d: {  	_ =	shalt  }
0x4e: {  	_ =	shalt  }
0x4f: {  	_ =	shalt  }
0x50: {  	_ =	shalt  }
0x51: {  	_ =	shalt  }
0x52: {  	_ =	shalt  }
0x53: {  	_ =	shalt  }
0x54: {  	_ =	shalt  }
0x55: {  	_ =	shalt  }
0x56: {  	_ =	shalt  }
0x57: {  	_ =	shalt  }
0x58: {  	_ =	shalt  }
0x59: {  	_ =	shalt  }
0x5a: {  	_ =	shalt  }
0x5b: {  	_ =	shalt  }
0x5c: {  	_ =	shalt  }
0x5d: {  	_ =	shalt  }
0x5e: {  	_ =	shalt  }
0x5f: {  	_ =	shalt  }
0x60: {  	_ =	shalt  }
0x61: {  	_ =	shalt  }
0x62: {  	_ =	shalt  }
0x63: {  	_ =	shalt  }
0x64: {  	_ =	shalt  }
0x65: {  	_ =	shalt  }
0x66: {  	_ =	shalt  }
0x67: {  	_ =	shalt  }
0x68: {  	_ =	shalt  }
0x69: {  	_ =	shalt  }
0x6a: {  	_ =	shalt  }
0x6b: {  	_ =	shalt  }
0x6c: {  	_ =	shalt  }
0x6d: {  	_ =	shalt  }
0x6e: {  	_ =	shalt  }
0x6f: {  	_ =	shalt  }
0x70: {  	_ =	shalt  }
0x71: {  	_ =	shalt  }
0x72: {  	_ =	shalt  }
0x73: {  	_ =	shalt  }
0x74: {  	_ =	shalt  }
0x75: {  	_ =	shalt  }
0x76: {  	_ =	shalt  }
0x77: {  	_ =	shalt  }
0x78: {  	_ =	shalt  }
0x79: {  	_ =	shalt  }
0x7a: {  	_ =	shalt  }
0x7b: {  	_ =	shalt  }
0x7c: {  	_ =	shalt  }
0x7d: {  	_ =	shalt  }
0x7e: {  	_ =	shalt  }
0x7f: {  	_ =	shalt  }
0x80: {  	_ =	shalt  }
0x81: {  	_ =	shalt  }
0x82: {  	_ =	shalt  }
0x83: {  	_ =	shalt  }
0x84: {  	_ =	shalt  }
0x85: {  	_ =	shalt  }
0x86: {  	_ =	shalt  }
0x87: {  	_ =	shalt  }
.Lfunc_end0:
.L_simem_size_0:
called_computation_lowered:
.L_overlay_start_0:
0x88: {  	s2 =	sld [smem:$0x3FD9]  }
0x89: {  	s3 =	sld [smem:$0x3FFE];
	_ =	sdelay $0x1  }
0x8a: {  	s1 =	srdreg.scid  }
0x8b: {  	s0 =	sand.u32 $0x1, s1  }
0x8c: {  	s17 =	sshll.u32 s0, $0xA;
	s2 =	sadd.s32 s3, s2  }
0x8d: {  	s2 =	sadd.s32 s2, s17  }
0x8e: {  	[smem:$0x3FC2] =	sst s2  }
0x8f: {  	_ = 	snop  }
0x90: {  	s2 =	sld [smem:$0x3FC9];
	(tm) =	ssettm $0x1  }
0x91: {  	s18 =	sld [smem:$0x3FFB];
	_ =	sdelay $0x3  }
0x92: {  	_ =	strace s18  }
0x93: {  	s3 =	sld [smem:$0x3FFC];
	_ =	sdelay $0x3  }
0x94: {  	_ =	strace s3  }
0x95: {  	s3 =	sld [smem:$0x3FFD];
	_ =	sdelay $0x3  }
0x96: {  	_ =	strace s3  }
0x97: {  	_ =	strace $0x8FFFFFFF  }
0x98: {  	s19 =	sld [smem:$0x3FDB];
	_ =	sdelay $0x1  }
0x99: {  	s4 =	simm.s32 $_scs_section_size  }
0x9a: {  	s5 =	simm.s32 $_size__tile_overlayer_lowered;
	s6 =	simm.s32 $_tile_overlayer_lowered  }
0x9b: {  	s22 =	simm.s32 $0x1BFF;
	s21 =	sshll.u32 s6, $0x1;
	s3 =	sadd.s32 s4, s19  }
0x9c: {  	s7 =	simm.s32 $0x0;
	s20 =	sshll.u32 s5, $0x1;
	s5 =	sadd.s32 s21, s3  }
0x9d: {  	[timem:s7], [sflag:s22] =	dma.local [hbm:s5], s20  }
0x9e: {  	_ =	swait.ge [sflag:s22], s20  }
0x9f: {  	s4 =	ssub.s32 $0x0, s20;
	[sflag:s22] =	ssyncset.done $0x0  }
0xa0: {  	[sflag:s22] =	ssyncadd.s32 s4;
	_ =	sdelay $0x1  }
0xa1: {  	s23 =	simm.s32 $0x1B8B  }
0xa2: {  	_ =	swait.ge [sflag:s23], $0x1  }
0xa3: {  	[sflag:s23] =	ssyncset.done $0x0  }
0xa4: {  	s25 =	simm.s32 $0x1B8E;
	s24 =	sld [smem:$0x3FFE];
	[sflag:s23] =	ssyncadd.s32 $0xFFFFFFFF  }
0xa5: {  	s26 =	simm.s32 $execute0_lowered;
	[smem:$0x3FD2] =	sst s25  }
0xa6: {  	s5 =	sshll.u32 s26, $0x1;
	_ =	strace $0x80000046;
	[dreg:$0x1] =	wrdreg $0xFFFFFFFF  }
0xa7: {  	s28 =	simm.s32 $_size_execute0_lowered;
	s3 =	sadd.s32 s3, s5;
	[dreg:$0x0] =	wrdreg $0x0  }
0xa8: {  	s5 =	sshll.u32 s28, $0x1;
	[dreg:$0x2] =	wrdreg s3  }
0xa9: {  	[dreg:$0x3] =	wrdreg s5  }
0xaa: {  	[dreg:$0x4] =	wrdreg $0xC0  }
0xab: {  	_ =	task [dreg:s7], $0x5FFFF  }
0xac: {  	[dreg:$0x1] =	wrdreg $0xFFFFFFFF  }
0xad: {  	[dreg:$0x0] =	wrdreg $0x60  }
0xae: {  	[dreg:$0x2] =	wrdreg s2  }
0xaf: {  	[dreg:$0x3] =	wrdreg s24  }
0xb0: {  	[dreg:$0x4] =	wrdreg $0x9  }
0xb1: {  	_ =	task.clear_ibuf [dreg:s7], $0x5FFFF;
	_ =	strace $0x90000046  }
0xb2: {  	s29 =	simm.s32 $0x9;
	_ =	strace $0x80000048  }
0xb3: {  	_ =	swait.ge [sflag:s29], $0x1  }
0xb4: {  	[sflag:s29] =	ssyncadd.s32 $0xFFFFFFFF  }
0xb5: {  	_ =	strace $0x90000048  }
0xb6: {  	_ =	sfence  }
0xb7: {  	s30 =	sld [smem:$0x0];
	_ =	sdelay $0x2  }
0xb8: {  	s31 =	sshll.u32 s1, $0xD;
	s1 =	sshrl.u32 s1, $0x2  }
0xb9: {  	s3 =	sand.u32 $0x4000, s31;
	s1 =	sadd.s32 s1, s30  }
0xba: {  	s0 =	sor.u32 s3, s0;
	s1 =	sshll.u32 s1, $0x11  }
0xbb: {  	s0 =	sor.u32 s1, s0  }
0xbc: {  	s0 =	sadd.s32 $0x8F2B, s0  }
0xbd: {  	[sflag:s0] =	ssyncadd.remote.s32 $0x1  }
0xbe: {  	_ =	sfence.sel $0xFFFF  }
0xbf: {  	[dreg:$0x0] =	wrdreg $0xFFFFFFFF;
	(pc) =	sbr.abs _section_cstart, $3  }
0xc0: {  	[dreg:$0x1] =	wrdreg $0xFFFFFFFF  }
0xc1: {  	_ =	task.clear_ibuf [dreg:s7], $0x2FFFF;
	_ =	strace $0x9FFFFFFF  }
0xc2: {  	(tm) =	ssettm $0x7FFFFFFF  }
0xc3: {  	_ =	shalt  }
tec
execute0_lowered:
.L_overlay_start_1:
0x0: {  	(tag) =	ssettag $0x1  }
0x1: {  	s1 =	srdreg.scid;
	s2 =	rddreg [dreg:$0x0]  }
0x2: {  	s0 =	stileid.u32;
	s4 =	rddreg [dreg:$0x1];
	s3 =	simm.s32 $0x0  }
0x3: {  	s8 =	simm.s32 $0x80;
	s26 =	simm.s32 $0x880;
	s9 =	simm.s32 $0x1080  }
0x4: {  	s10 =	simm.s32 $0x1880;
	s11 =	simm.s32 $0x2080;
	s12 =	simm.s32 $0x2880  }
0x5: {  	s13 =	simm.s32 $0x3080;
	s14 =	simm.s32 $0x3880;
	s15 =	simm.s32 $0x4080  }
0x6: {  	s16 =	simm.s32 $0x4880;
	s17 =	simm.s32 $0x5080;
	s18 =	simm.s32 $0x5880  }
0x7: {  	s19 =	simm.s32 $0x6080;
	s20 =	simm.s32 $0x6880;
	s21 =	simm.s32 $0x7080  }
0x8: {  	s22 =	simm.s32 $0x7880;
	s23 =	simm.s32 $0x8080;
	s24 =	simm.s32 $0x8880  }
0x9: {  	s25 =	simm.s32 $0x9080;
	s28 =	simm.s32 $0xA080;
	s29 =	simm.s32 $0xA880  }
0xa: {  	s30 =	simm.s32 $0xB080;
	s31 =	simm.s32 $0xB880;
	s1 =	sand.u32 $0x1, s1  }
0xb: {  	s5 =	sshll.u32 s0, $0x4;
	[smem:$0x7FF] =	sst s3;
	s6 =	sshll.u32 s1, $0x3  }
0xc: {  	s1 =	ssub.s32 $0x2, s1;
	_ =	strace $0x80000047;
	s5 =	sor.u32 s6, s5  }
0xd: {  	[dreg:$0x5] =	wrdreg s26;
	s7 =	sshrl.u32 s1, $0x1;
	s6 =	smul.u32 $0x300, s5  }
0xe: {  	s26 =	simm.s32 $0x9880;
	s1 =	ssub.s32 s1, s7;
	s7 =	simm.s32 $0x2  }
0xf: {  	v2 =	vlaneseq.u32;
	s6 =	sadd.s32 s6, s4;
	s4 =	sadd.s32 s4, s5;
	s5 =	sadd.s32 $0x200, s2  }
0x10: {  	vm0 =	vmmov $0xffff;
	v1 =	vshrl.u32 v2, $0x3;
	[dreg:$0x3] =	wrdreg s4;
	s4 =	sadd.s32 $0x100, s2;
	s6 =	sadd.s32 $0x200, s6  }
0x11: {  	v0 =	vand.u32 $0x7, v2;
	v2 =	vor.u32 $0x8, v2;
	v1 =	vmul.u32 $0x8, v1;
	[dreg:$0x4] =	wrdreg s6;
	s6 =	smax.u32 s1, $0x1;
	s1 =	simm.s32 $0x1  }
.LBB2_1:
0x12: {  	s0 =	rddreg [dreg:$0x3]  }
0x13: {  	[tilespmem:s3], [sflag:$0x2] =	stream.linear.gather [hbm4b:s0+s3], $0x40, $0x38;
	[tilespmem:$0xC080] =	vst v63  }
0x14: {  	_ =	swait.ge [sflag:s7], $0x40  }
0x15: {  	[sflag:s7] =	ssyncset.done $0x0  }
0x16: {  	[sflag:s7] =	ssyncadd.s32 $0xFFFFFFC0  }
0x17: {  	v3 =	vld [tilespmem:$0x0];
	_ =	sdelay $0x4  }
0x18: {  	v4 =	vshrl.u32 v3, $0x3  }
0x19: {  	v4 =	vmul.u32 $0x30, v4  }
0x1a: {  	v3 =	vand.u32 $0x7, v3  }
0x1b: {  	v3 =	vor.u32 v3, v4  }
0x1c: {  	v4 =	vperm.xlane v3, v0;
	_ =	sdelay $0x1  }
0x1d: {  	v4 =	vadd.s32 v1, v4;
	_ =	sdelay $0x3  }
0x1e: {  	v3 =	vperm.xlane v3, v2  }
0x1f: {  	[tilespmem:s8], [sflag:$0x1] =	stream.indirect_vreg.gather [hbm4b:s2+s3], $0x80, v4, vm0, $0xb8;
	[tilespmem:$0xC080] =	vst v63  }
0x20: {  	s0 =	rddreg [dreg:$0x5];
	v3 =	vadd.s32 v1, v3  }
0x21: {  	[tilespmem:s0], [sflag:$0x1] =	stream.indirect_vreg.gather [hbm4b:s4+s3], $0x80, v4, vm0, $0xb8;
	[tilespmem:$0xC080] =	vst v63  }
0x22: {  	_ = 	snop  }
0x23: {  	[tilespmem:s9], [sflag:$0x1] =	stream.indirect_vreg.gather [hbm4b:s5+s3], $0x80, v4, vm0, $0xb8;
	[tilespmem:$0xC080] =	vst v63  }
0x24: {  	_ = 	snop  }
0x25: {  	[tilespmem:s10], [sflag:$0x1] =	stream.indirect_vreg.gather [hbm4b:s2+s3], $0x80, v3, vm0, $0xb8;
	[tilespmem:$0xC080] =	vst v63  }
0x26: {  	_ = 	snop  }
0x27: {  	[tilespmem:s11], [sflag:$0x1] =	stream.indirect_vreg.gather [hbm4b:s4+s3], $0x80, v3, vm0, $0xb8;
	[tilespmem:$0xC080] =	vst v63  }
0x28: {  	_ = 	snop  }
0x29: {  	[tilespmem:s12], [sflag:$0x1] =	stream.indirect_vreg.gather [hbm4b:s5+s3], $0x80, v3, vm0, $0xb8;
	[tilespmem:$0xC080] =	vst v63  }
0x2a: {  	v3 =	vld [tilespmem:$0x10];
	_ =	sdelay $0x4  }
0x2b: {  	v61 =	vshrl.u32 v3, $0x3  }
0x2c: {  	v4 =	vmul.u32 $0x30, v61  }
0x2d: {  	v3 =	vand.u32 $0x7, v3  }
0x2e: {  	v3 =	vor.u32 v3, v4  }
0x2f: {  	v4 =	vperm.xlane v3, v0;
	_ =	sdelay $0x1  }
0x30: {  	v4 =	vadd.s32 v1, v4;
	_ =	sdelay $0x3  }
0x31: {  	v3 =	vperm.xlane v3, v2  }
0x32: {  	[tilespmem:s13], [sflag:$0x1] =	stream.indirect_vreg.gather [hbm4b:s2+s3], $0x80, v4, vm0, $0xb8;
	[tilespmem:$0xC080] =	vst v63  }
0x33: {  	v3 =	vadd.s32 v1, v3  }
0x34: {  	[tilespmem:s14], [sflag:$0x1] =	stream.indirect_vreg.gather [hbm4b:s4+s3], $0x80, v4, vm0, $0xb8;
	[tilespmem:$0xC080] =	vst v63  }
0x35: {  	_ = 	snop  }
0x36: {  	[tilespmem:s15], [sflag:$0x1] =	stream.indirect_vreg.gather [hbm4b:s5+s3], $0x80, v4, vm0, $0xb8;
	[tilespmem:$0xC080] =	vst v63  }
0x37: {  	_ = 	snop  }
0x38: {  	[tilespmem:s16], [sflag:$0x1] =	stream.indirect_vreg.gather [hbm4b:s2+s3], $0x80, v3, vm0, $0xb8;
	[tilespmem:$0xC080] =	vst v63  }
0x39: {  	_ = 	snop  }
0x3a: {  	[tilespmem:s17], [sflag:$0x1] =	stream.indirect_vreg.gather [hbm4b:s4+s3], $0x80, v3, vm0, $0xb8;
	[tilespmem:$0xC080] =	vst v63  }
0x3b: {  	_ = 	snop  }
0x3c: {  	[tilespmem:s18], [sflag:$0x1] =	stream.indirect_vreg.gather [hbm4b:s5+s3], $0x80, v3, vm0, $0xb8;
	[tilespmem:$0xC080] =	vst v63  }
0x3d: {  	v3 =	vld [tilespmem:$0x20];
	_ =	sdelay $0x4  }
0x3e: {  	v62 =	vshrl.u32 v3, $0x3  }
0x3f: {  	v4 =	vmul.u32 $0x30, v62  }
0x40: {  	v3 =	vand.u32 $0x7, v3  }
0x41: {  	v3 =	vor.u32 v3, v4  }
0x42: {  	v4 =	vperm.xlane v3, v0;
	_ =	sdelay $0x1  }
0x43: {  	v4 =	vadd.s32 v1, v4;
	_ =	sdelay $0x3  }
0x44: {  	v3 =	vperm.xlane v3, v2  }
0x45: {  	[tilespmem:s19], [sflag:$0x1] =	stream.indirect_vreg.gather [hbm4b:s2+s3], $0x80, v4, vm0, $0xb8;
	[tilespmem:$0xC080] =	vst v63  }
0x46: {  	v3 =	vadd.s32 v1, v3  }
0x47: {  	[tilespmem:s20], [sflag:$0x1] =	stream.indirect_vreg.gather [hbm4b:s4+s3], $0x80, v4, vm0, $0xb8;
	[tilespmem:$0xC080] =	vst v63  }
0x48: {  	_ = 	snop  }
0x49: {  	[tilespmem:s21], [sflag:$0x1] =	stream.indirect_vreg.gather [hbm4b:s5+s3], $0x80, v4, vm0, $0xb8;
	[tilespmem:$0xC080] =	vst v63  }
0x4a: {  	_ = 	snop  }
0x4b: {  	[tilespmem:s22], [sflag:$0x1] =	stream.indirect_vreg.gather [hbm4b:s2+s3], $0x80, v3, vm0, $0xb8;
	[tilespmem:$0xC080] =	vst v63  }
0x4c: {  	_ = 	snop  }
0x4d: {  	[tilespmem:s23], [sflag:$0x1] =	stream.indirect_vreg.gather [hbm4b:s4+s3], $0x80, v3, vm0, $0xb8;
	[tilespmem:$0xC080] =	vst v63  }
0x4e: {  	_ = 	snop  }
0x4f: {  	[tilespmem:s24], [sflag:$0x1] =	stream.indirect_vreg.gather [hbm4b:s5+s3], $0x80, v3, vm0, $0xb8;
	[tilespmem:$0xC080] =	vst v63  }
0x50: {  	v3 =	vld [tilespmem:$0x30];
	_ =	sdelay $0x4  }
0x51: {  	v63 =	vshrl.u32 v3, $0x3  }
0x52: {  	v4 =	vmul.u32 $0x30, v63  }
0x53: {  	v3 =	vand.u32 $0x7, v3  }
0x54: {  	v3 =	vor.u32 v3, v4  }
0x55: {  	v4 =	vperm.xlane v3, v0;
	_ =	sdelay $0x1  }
0x56: {  	v4 =	vadd.s32 v1, v4;
	_ =	sdelay $0x3  }
0x57: {  	v3 =	vperm.xlane v3, v2  }
0x58: {  	[tilespmem:s25], [sflag:$0x1] =	stream.indirect_vreg.gather [hbm4b:s2+s3], $0x80, v4, vm0, $0xb8;
	[tilespmem:$0xC080] =	vst v63  }
0x59: {  	v3 =	vadd.s32 v1, v3  }
0x5a: {  	[tilespmem:s26], [sflag:$0x1] =	stream.indirect_vreg.gather [hbm4b:s4+s3], $0x80, v4, vm0, $0xb8;
	[tilespmem:$0xC080] =	vst v63  }
0x5b: {  	_ = 	snop  }
0x5c: {  	[tilespmem:s28], [sflag:$0x1] =	stream.indirect_vreg.gather [hbm4b:s5+s3], $0x80, v4, vm0, $0xb8;
	[tilespmem:$0xC080] =	vst v63  }
0x5d: {  	_ = 	snop  }
0x5e: {  	[tilespmem:s29], [sflag:$0x1] =	stream.indirect_vreg.gather [hbm4b:s2+s3], $0x80, v3, vm0, $0xb8;
	[tilespmem:$0xC080] =	vst v63  }
0x5f: {  	_ = 	snop  }
0x60: {  	[tilespmem:s30], [sflag:$0x1] =	stream.indirect_vreg.gather [hbm4b:s4+s3], $0x80, v3, vm0, $0xb8;
	[tilespmem:$0xC080] =	vst v63  }
0x61: {  	_ = 	snop  }
0x62: {  	[tilespmem:s31], [sflag:$0x1] =	stream.indirect_vreg.gather [hbm4b:s5+s3], $0x80, v3, vm0, $0xb8;
	[tilespmem:$0xC080] =	vst v63  }
0x63: {  	_ =	swait.ge [sflag:s1], $0xC000  }
0x64: {  	p0 =	sne.s32 s6, $0x1;
	[sflag:s1] =	ssyncset.done $0x0  }
.Ltmp0:
0x65: {  	s0 =	rddreg [dreg:$0x4];
	[sflag:s1] =	ssyncadd.s32 $0xFFFF4000;
	(pc) =	sbr.rel @p0 .LBB2_1-.Ltmp0, $4  }
0x66: {  	[hbm4b:s0+s3] =	stream.linear.scatter [tilespmem:s8], [sflag:$0x2], $0xC000, $0x38;
	[tilespmem:$0xC080] =	vst v63  }
0x67: {  	_ =	swait.ge [sflag:s7], $0xC000  }
0x68: {  	[sflag:s7] =	ssyncset.done $0x0  }
0x69: {  	s6 =	sadd.s32 $0xFFFFFFFF, s6;
	[sflag:s7] =	ssyncadd.s32 $0xFFFF4000  }
0x6a: {  	_ =	sfence.sel $0x180000  }
0x6b: {  	[bflag:$0x0] =	sbarrier.arrive $0xFFFF  }
0x6c: {  	_ =	strace $0x90000047  }
0x6d: {  	s0 =	stileid.u32;
	[bflag:$0x2] =	sbarrier.arrive $0xFFFF  }
0x6e: {  	p0 =	sne.s32 s0, $0x0;
	s0 =	rddreg [dreg:$0x2]  }
0x6f: {  	s0 =	sadd.s32 @!p0 $0x100000, s0  }
0x70: {  	[sflag:s0] =	ssyncadd.tile.s32 @!p0 $0x1;
	_ =	shalt  }
.Lfunc_end2:
_tile_overlayer_lowered:
.L_overlay_start_2:
0x71: {  	(tag) =	ssettag $0x2  }
0x72: {  	s0 =	rddreg [dreg:$0x0];
	s2 =	stileid.u32  }
0x73: {  	s1 =	rddreg [dreg:$0x1];
	p0 =	sne.s32 s2, $0x0  }
0x74: {  	s3 =	rddreg [dreg:$0x2];
	[bflag:$0x3] =	sbarrier.arrive $0xFFFF;
	s2 =	simm.s32 @!p0 $0x1C02  }
0x75: {  	[timem:s3], [sflag:s2] =	dma.local @!p0 [hbm:s0], s1  }
0x76: {  	s0 =	simm.s32 @!p0 $0x2  }
0x77: {  	_ =	swait.ge @!p0 [sflag:s0], s1  }
0x78: {  	s1 =	ssub.s32 @!p0 $0x0, s1;
	[sflag:s0] =	ssyncset.done @!p0 $0x0  }
0x79: {  	[sflag:s0] =	ssyncadd.s32 @!p0 s1  }
0x7a: {  	[bflag:$0x3] =	sbarrier.arrive $0xFFFF  }
0x7b: {  	_ =	shalt  }

</sc_bundles>
